<compile_context>
chip_gen: v7x
topology: tpu7x:2x2x1
jax: 0.10.2.dev20260603
libtpu: 0.0.44.dev20260713+nightly
codegen_flags: <defaults>
</compile_context>

<pallas_src>
import functools

import jax
import jax.numpy as jnp
from jax import lax
from jax.experimental import pallas as pl
from jax.experimental.pallas import tpu as pltpu
from jax.experimental.pallas import tpu_sc as plsc

B = 16384
V = 1000
D = 16
N_FIELDS = 3
NC = 2
NS = 16
NW = NC * NS
CHUNK = B // NW
GROUPS = CHUNK // 16
WQ_OFF = 8
WQ_LEN = 3072
B_OFF = WQ_OFF + 3002

_MESH = plsc.VectorSubcoreMesh(core_axis_name="c", subcore_axis_name="s")


@functools.partial(
    pl.kernel,
    mesh=_MESH,
    compiler_params=pltpu.CompilerParams(needs_layout_passes=False),
    out_type=jax.ShapeDtypeStruct((B,), jnp.float32),
    scratch_types=[
        pltpu.VMEM((CHUNK,), jnp.int32),
        pltpu.VMEM((CHUNK,), jnp.float32),
        pltpu.VMEM((CHUNK,), jnp.float32),
        pltpu.VMEM((N_FIELDS * V * D,), jnp.float32),
        pltpu.VMEM((WQ_LEN,), jnp.float32),
        pltpu.VMEM((CHUNK,), jnp.float32),
        pltpu.SemaphoreType.DMA,
    ],
)
def _fm_forward(packed, den0, den1, tflat, wq, out,
                iv, dv0, dv1, tv, wv, outv, sem):
    wid = lax.axis_index("s") * NC + lax.axis_index("c")
    base = wid * CHUNK

    cpa = pltpu.async_copy(tflat, tv, sem)
    cpb = pltpu.async_copy(wq, wv, sem)
    cpc = pltpu.async_copy(packed.at[pl.ds(base, CHUNK)], iv, sem)
    cpd = pltpu.async_copy(den0.at[pl.ds(base, CHUNK)], dv0, sem)
    cpe = pltpu.async_copy(den1.at[pl.ds(base, CHUNK)], dv1, sem)
    cpa.wait()
    cpb.wait()
    cpc.wait()
    cpd.wait()
    cpe.wait()

    zero16 = jnp.zeros((16,), jnp.int32)
    w0v = plsc.load_gather(wv, [zero16 + WQ_OFF])
    w1v = plsc.load_gather(wv, [zero16 + (WQ_OFF + 1)])
    bv = plsc.load_gather(wv, [zero16 + B_OFF])

    UNROLL = 4

    def one_group(off):
        pk = iv[pl.ds(off, 16)]
        i0 = pk & 1023
        i1 = (pk >> 10) & 1023
        i2 = pk >> 20
        d0 = dv0[pl.ds(off, 16)]
        d1 = dv1[pl.ds(off, 16)]
        lw = (plsc.load_gather(wv, [i0 + (WQ_OFF + 2)])
              + plsc.load_gather(wv, [i1 + (WQ_OFF + 2 + V)])
              + plsc.load_gather(wv, [i2 + (WQ_OFF + 2 + 2 * V)]))
        lin = d0 * w0v + d1 * w1v + bv + lw
        ib0 = i0
        ib1 = i1 + V
        ib2 = i2 + 2 * V
        accs = [lin, None, None, None]
        for d in range(D):
            a0 = plsc.load_gather(tv, [ib0 + d * (N_FIELDS * V)])
            a1 = plsc.load_gather(tv, [ib1 + d * (N_FIELDS * V)])
            a2 = plsc.load_gather(tv, [ib2 + d * (N_FIELDS * V)])
            term = a0 * a1 + a2 * (a0 + a1)
            k = d % 4
            accs[k] = term if accs[k] is None else accs[k] + term
        acc = (accs[0] + accs[1]) + (accs[2] + accs[3])
        outv[pl.ds(off, 16)] = 1.0 / (1.0 + jnp.exp(-acc))

    def body(g, carry):
        base_off = g * (16 * UNROLL)
        for u in range(UNROLL):
            one_group(base_off + u * 16)
        return carry

    lax.fori_loop(0, GROUPS // UNROLL, body, 0)
    pltpu.sync_copy(outv, out.at[pl.ds(base, CHUNK)])


def kernel(inputs, tables, w, b):
    ids = inputs[:, :N_FIELDS].astype(jnp.int32)
    packed = ids[:, 0] | (ids[:, 1] << 10) | (ids[:, 2] << 20)
    wq = jnp.concatenate(
        [jnp.zeros((WQ_OFF,), jnp.float32), w.reshape(-1), b,
         jnp.zeros((WQ_LEN - B_OFF - 1,), jnp.float32)])
    tmaj = tables.reshape(N_FIELDS * V, D).T.reshape(-1)
    out = _fm_forward(packed, inputs[:, N_FIELDS], inputs[:, N_FIELDS + 1],
                      tmaj, wq)
    return out.reshape(B, 1)

# --- scband reference (transcript-rebuilt; emitter-appended) ---
"""Pipeline reference for scband-fmmodel-52132313039240 (READ-ONLY COPY).

The authoritative reference and input builder live on the scoring server;
editing this copy changes nothing except your own understanding.
"""

import jax, jax.numpy as jnp
import numpy as np

B = 16384
V = 1000
D = 16
N_SPARSE = 3
N_DENSE = 2

def setup_inputs(seed: int = 0) -> dict:
    key = jax.random.key(seed)
    k1, k2, k3, k4 = jax.random.split(key, 4)
    # inputs[:, 0:3] are sparse categorical ids (stored as float, cast to int in forward);
    # inputs[:, 3:5] are dense features. Harness uses randint fill for the whole tensor.
    sparse = jax.random.randint(k1, (B, N_SPARSE), 0, V).astype(jnp.float32)
    dense = jax.random.normal(k2, (B, N_DENSE), dtype=jnp.float32)
    inputs = jnp.concatenate([sparse, dense], axis=1)
    # learned params: one embedding table per sparse field, FM linear weights + bias
    tables = jax.random.normal(k3, (N_SPARSE, V, D), dtype=jnp.float32) * 0.01
    w = jax.random.normal(k4, (N_DENSE + N_SPARSE * V, 1), dtype=jnp.float32) * 0.01
    b = jnp.zeros((1,), dtype=jnp.float32)
    return {"inputs": inputs, "tables": tables, "w": w, "b": b}

def reference(inputs, tables, w, b):
    sparse_feas = inputs[:, 0:N_SPARSE].astype(jnp.int32)   # [B, 3]
    dense_feas = inputs[:, N_SPARSE:N_SPARSE + N_DENSE]      # [B, 2]
    # EmbeddingLayer (is_combine=True) -> stack per-field lookups -> [B, fields, D]
    emb = jnp.stack([jnp.take(tables[i], sparse_feas[:, i], axis=0) for i in range(N_SPARSE)], axis=1)
    # OneHotLayer: concat per-field one-hots -> [B, 3*V]
    one_hot = jnp.concatenate([jax.nn.one_hot(sparse_feas[:, i], V, dtype=jnp.float32) for i in range(N_SPARSE)], axis=1)
    liner_inputs = jnp.concatenate([dense_feas, one_hot], axis=1)  # [B, 2 + 3*V]
    # FM layer: linear term + 2nd-order cross term
    linear_term = liner_inputs @ w + b                             # [B, 1]
    sum_sq = jnp.square(jnp.sum(emb, axis=1))                      # [B, D]
    sq_sum = jnp.sum(jnp.square(emb), axis=1)                      # [B, D]
    cross_term = 0.5 * jnp.sum(sum_sq - sq_sum, axis=1, keepdims=True)  # [B, 1]
    return jax.nn.sigmoid(linear_term + cross_term)

if __name__ == "__main__":
    import jax
    _d = setup_inputs()
    print(jax.jit(kernel)(*tuple(_d.values())))

</pallas_src>

<mosaic_0001>
#map = affine_map<(d0, d1) -> (0)>
module attributes {stable_mosaic.version = 14 : i64} {
  func.func @_fm_forward(%arg0: i32, %arg1: i32, %arg2: memref<16384xi32, #tpu.memory_space<hbm>>, %arg3: memref<16384xf32, #tpu.memory_space<hbm>>, %arg4: memref<16384xf32, #tpu.memory_space<hbm>>, %arg5: memref<48000xf32, #tpu.memory_space<hbm>>, %arg6: memref<3072xf32, #tpu.memory_space<hbm>>, %arg7: memref<16384xf32, #tpu.memory_space<hbm>>, %arg8: memref<512xi32, #tpu.memory_space<vmem>>, %arg9: memref<512xf32, #tpu.memory_space<vmem>>, %arg10: memref<512xf32, #tpu.memory_space<vmem>>, %arg11: memref<48000xf32, #tpu.memory_space<vmem>>, %arg12: memref<3072xf32, #tpu.memory_space<vmem>>, %arg13: memref<512xf32, #tpu.memory_space<vmem>>, %arg14: memref<!tpu.dma_semaphore, #tpu.memory_space<semaphore_mem>>) attributes {dimension_semantics = [#tpu.dimension_semantics<core_parallel>, #tpu.dimension_semantics<subcore_parallel>], iteration_bounds = array<i64: 2, 16>, scalar_prefetch = 0 : i64, scratch_operands = 7 : i64, tpu.core_type = #tpu.core_type<sc_vector_subcore>, window_params = [{transform_indices = #map}, {transform_indices = #map}, {transform_indices = #map}, {transform_indices = #map}, {transform_indices = #map}, {transform_indices = #map}]} {
    %mul3A = arith.constant 2 : i32
    %mul3A_0 = arith.muli %arg1, %mul3A : i32
    %add3A = arith.addi %mul3A_0, %arg0 : i32
    %mul3A_1 = arith.constant 512 : i32
    %mul3A_2 = arith.muli %add3A, %mul3A_1 : i32
    tpu.enqueue_dma source(%arg5 : memref<48000xf32, #tpu.memory_space<hbm>>) target(%arg11 : memref<48000xf32, #tpu.memory_space<vmem>>) target_semaphore(%arg14 : memref<!tpu.dma_semaphore, #tpu.memory_space<semaphore_mem>>)
    tpu.enqueue_dma source(%arg6 : memref<3072xf32, #tpu.memory_space<hbm>>) target(%arg12 : memref<3072xf32, #tpu.memory_space<vmem>>) target_semaphore(%arg14 : memref<!tpu.dma_semaphore, #tpu.memory_space<semaphore_mem>>)
    %dma_start3A = tpu.memref_slice %arg2[%mul3A_2] : memref<16384xi32, #tpu.memory_space<hbm>> -> memref<512xi32, #tpu.memory_space<hbm>>
    %dma_start3A_3 = tpu.memref_slice %arg2[%mul3A_2] : memref<16384xi32, #tpu.memory_space<hbm>> -> memref<512xi32, #tpu.memory_space<hbm>>
    tpu.enqueue_dma source(%dma_start3A_3 : memref<512xi32, #tpu.memory_space<hbm>>) target(%arg8 : memref<512xi32, #tpu.memory_space<vmem>>) target_semaphore(%arg14 : memref<!tpu.dma_semaphore, #tpu.memory_space<semaphore_mem>>)
    %dma_start3A_4 = tpu.memref_slice %arg3[%mul3A_2] : memref<16384xf32, #tpu.memory_space<hbm>> -> memref<512xf32, #tpu.memory_space<hbm>>
    %dma_start3A_5 = tpu.memref_slice %arg3[%mul3A_2] : memref<16384xf32, #tpu.memory_space<hbm>> -> memref<512xf32, #tpu.memory_space<hbm>>
    tpu.enqueue_dma source(%dma_start3A_5 : memref<512xf32, #tpu.memory_space<hbm>>) target(%arg9 : memref<512xf32, #tpu.memory_space<vmem>>) target_semaphore(%arg14 : memref<!tpu.dma_semaphore, #tpu.memory_space<semaphore_mem>>)
    %dma_start3A_6 = tpu.memref_slice %arg4[%mul3A_2] : memref<16384xf32, #tpu.memory_space<hbm>> -> memref<512xf32, #tpu.memory_space<hbm>>
    %dma_start3A_7 = tpu.memref_slice %arg4[%mul3A_2] : memref<16384xf32, #tpu.memory_space<hbm>> -> memref<512xf32, #tpu.memory_space<hbm>>
    tpu.enqueue_dma source(%dma_start3A_7 : memref<512xf32, #tpu.memory_space<hbm>>) target(%arg10 : memref<512xf32, #tpu.memory_space<vmem>>) target_semaphore(%arg14 : memref<!tpu.dma_semaphore, #tpu.memory_space<semaphore_mem>>)
    tpu.wait_dma2 semaphore(%arg14 : memref<!tpu.dma_semaphore, #tpu.memory_space<semaphore_mem>>) src(%arg5 : memref<48000xf32, #tpu.memory_space<hbm>>) dst(%arg11 : memref<48000xf32, #tpu.memory_space<vmem>>)
    tpu.wait_dma2 semaphore(%arg14 : memref<!tpu.dma_semaphore, #tpu.memory_space<semaphore_mem>>) src(%arg6 : memref<3072xf32, #tpu.memory_space<hbm>>) dst(%arg12 : memref<3072xf32, #tpu.memory_space<vmem>>)
    %dma_wait3A = tpu.memref_slice %arg2[%mul3A_2] : memref<16384xi32, #tpu.memory_space<hbm>> -> memref<512xi32, #tpu.memory_space<hbm>>
    %dma_wait3A_8 = tpu.memref_slice %arg2[%mul3A_2] : memref<16384xi32, #tpu.memory_space<hbm>> -> memref<512xi32, #tpu.memory_space<hbm>>
    tpu.wait_dma2 semaphore(%arg14 : memref<!tpu.dma_semaphore, #tpu.memory_space<semaphore_mem>>) src(%dma_wait3A_8 : memref<512xi32, #tpu.memory_space<hbm>>) dst(%arg8 : memref<512xi32, #tpu.memory_space<vmem>>)
    %dma_wait3A_9 = tpu.memref_slice %arg3[%mul3A_2] : memref<16384xf32, #tpu.memory_space<hbm>> -> memref<512xf32, #tpu.memory_space<hbm>>
    %dma_wait3A_10 = tpu.memref_slice %arg3[%mul3A_2] : memref<16384xf32, #tpu.memory_space<hbm>> -> memref<512xf32, #tpu.memory_space<hbm>>
    tpu.wait_dma2 semaphore(%arg14 : memref<!tpu.dma_semaphore, #tpu.memory_space<semaphore_mem>>) src(%dma_wait3A_10 : memref<512xf32, #tpu.memory_space<hbm>>) dst(%arg9 : memref<512xf32, #tpu.memory_space<vmem>>)
    %dma_wait3A_11 = tpu.memref_slice %arg4[%mul3A_2] : memref<16384xf32, #tpu.memory_space<hbm>> -> memref<512xf32, #tpu.memory_space<hbm>>
    %dma_wait3A_12 = tpu.memref_slice %arg4[%mul3A_2] : memref<16384xf32, #tpu.memory_space<hbm>> -> memref<512xf32, #tpu.memory_space<hbm>>
    tpu.wait_dma2 semaphore(%arg14 : memref<!tpu.dma_semaphore, #tpu.memory_space<semaphore_mem>>) src(%dma_wait3A_12 : memref<512xf32, #tpu.memory_space<hbm>>) dst(%arg10 : memref<512xf32, #tpu.memory_space<vmem>>)
    %broadcast_in_dim3A = arith.constant 0 : i32
    %broadcast_in_dim3A_13 = vector.broadcast %broadcast_in_dim3A : i32 to vector<16xi32>
    %add3A_14 = arith.constant 8 : i32
    %add3A_15 = vector.broadcast %add3A_14 : i32 to vector<16xi32>
    %add3A_16 = arith.addi %broadcast_in_dim3A_13, %add3A_15 : vector<16xi32>
    %gather3A = tpu.vector_load_idx %arg12[%add3A_16] : memref<3072xf32, #tpu.memory_space<vmem>>[vector<16xi32>], vector<16xf32>,
    %add3A_17 = arith.constant 9 : i32
    %add3A_18 = vector.broadcast %add3A_17 : i32 to vector<16xi32>
    %add3A_19 = arith.addi %broadcast_in_dim3A_13, %add3A_18 : vector<16xi32>
    %gather3A_20 = tpu.vector_load_idx %arg12[%add3A_19] : memref<3072xf32, #tpu.memory_space<vmem>>[vector<16xi32>], vector<16xf32>,
    %add3A_21 = arith.constant 3010 : i32
    %add3A_22 = vector.broadcast %add3A_21 : i32 to vector<16xi32>
    %add3A_23 = arith.addi %broadcast_in_dim3A_13, %add3A_22 : vector<16xi32>
    %gather3A_24 = tpu.vector_load_idx %arg12[%add3A_23] : memref<3072xf32, #tpu.memory_space<vmem>>[vector<16xi32>], vector<16xf32>,
    %scan3A = arith.constant 0 : i32
    %scan3A_25 = arith.constant 0 : i32
    %scan3A_26 = arith.constant 8 : i32
    %scan3A_27 = arith.addi %scan3A_25, %scan3A_26 : i32
    %scan3A_28 = arith.constant 1 : i32
    scf.for %scan3A_30 = %scan3A_25 to %scan3A_27 step %scan3A_28  : i32 {
      %mul3A_31 = arith.constant 64 : i32
      %mul3A_32 = arith.muli %scan3A_30, %mul3A_31 : i32
      %add3A_33 = arith.constant 0 : i32
      %add3A_34 = arith.addi %mul3A_32, %add3A_33 : i32
      %get3A = arith.index_cast %add3A_34 : i32 to index
      %get3A_35 = tpu.vector_load %arg8[%get3A] {strides = array<i32>} : memref<512xi32, #tpu.memory_space<vmem>>, vector<16xi32>,
      %and3A = arith.constant 1023 : i32
      %and3A_36 = vector.broadcast %and3A : i32 to vector<16xi32>
      %and3A_37 = arith.andi %get3A_35, %and3A_36 : vector<16xi32>
      %shift_right_arithmetic3A = arith.constant 10 : i32
      %shift_right_arithmetic3A_38 = vector.broadcast %shift_right_arithmetic3A : i32 to vector<16xi32>
      %shift_right_arithmetic3A_39 = arith.shrsi %get3A_35, %shift_right_arithmetic3A_38 : vector<16xi32>
      %and3A_40 = arith.constant 1023 : i32
      %and3A_41 = vector.broadcast %and3A_40 : i32 to vector<16xi32>
      %and3A_42 = arith.andi %shift_right_arithmetic3A_39, %and3A_41 : vector<16xi32>
      %shift_right_arithmetic3A_43 = arith.constant 20 : i32
      %shift_right_arithmetic3A_44 = vector.broadcast %shift_right_arithmetic3A_43 : i32 to vector<16xi32>
      %shift_right_arithmetic3A_45 = arith.shrsi %get3A_35, %shift_right_arithmetic3A_44 : vector<16xi32>
      %get3A_46 = arith.index_cast %add3A_34 : i32 to index
      %get3A_47 = tpu.vector_load %arg9[%get3A_46] {strides = array<i32>} : memref<512xf32, #tpu.memory_space<vmem>>, vector<16xf32>,
      %get3A_48 = arith.index_cast %add3A_34 : i32 to index
      %get3A_49 = tpu.vector_load %arg10[%get3A_48] {strides = array<i32>} : memref<512xf32, #tpu.memory_space<vmem>>, vector<16xf32>,
      %add3A_50 = arith.constant 10 : i32
      %add3A_51 = vector.broadcast %add3A_50 : i32 to vector<16xi32>
      %add3A_52 = arith.addi %and3A_37, %add3A_51 : vector<16xi32>
      %gather3A_53 = tpu.vector_load_idx %arg12[%add3A_52] : memref<3072xf32, #tpu.memory_space<vmem>>[vector<16xi32>], vector<16xf32>,
      %add3A_54 = arith.constant 1010 : i32
      %add3A_55 = vector.broadcast %add3A_54 : i32 to vector<16xi32>
      %add3A_56 = arith.addi %and3A_42, %add3A_55 : vector<16xi32>
      %gather3A_57 = tpu.vector_load_idx %arg12[%add3A_56] : memref<3072xf32, #tpu.memory_space<vmem>>[vector<16xi32>], vector<16xf32>,
      %add3A_58 = arith.addf %gather3A_53, %gather3A_57 : vector<16xf32>
      %add3A_59 = arith.constant 2010 : i32
      %add3A_60 = vector.broadcast %add3A_59 : i32 to vector<16xi32>
      %add3A_61 = arith.addi %shift_right_arithmetic3A_45, %add3A_60 : vector<16xi32>
      %gather3A_62 = tpu.vector_load_idx %arg12[%add3A_61] : memref<3072xf32, #tpu.memory_space<vmem>>[vector<16xi32>], vector<16xf32>,
      %add3A_63 = arith.addf %add3A_58, %gather3A_62 : vector<16xf32>
      %mul3A_64 = arith.mulf %get3A_47, %gather3A : vector<16xf32>
      %mul3A_65 = arith.mulf %get3A_49, %gather3A_20 : vector<16xf32>
      %add3A_66 = arith.addf %mul3A_64, %mul3A_65 : vector<16xf32>
      %add3A_67 = arith.addf %add3A_66, %gather3A_24 : vector<16xf32>
      %add3A_68 = arith.addf %add3A_67, %add3A_63 : vector<16xf32>
      %add3A_69 = arith.constant 1000 : i32
      %add3A_70 = vector.broadcast %add3A_69 : i32 to vector<16xi32>
      %add3A_71 = arith.addi %and3A_42, %add3A_70 : vector<16xi32>
      %add3A_72 = arith.constant 2000 : i32
      %add3A_73 = vector.broadcast %add3A_72 : i32 to vector<16xi32>
      %add3A_74 = arith.addi %shift_right_arithmetic3A_45, %add3A_73 : vector<16xi32>
      %add3A_75 = arith.constant 0 : i32
      %add3A_76 = vector.broadcast %add3A_75 : i32 to vector<16xi32>
      %add3A_77 = arith.addi %and3A_37, %add3A_76 : vector<16xi32>
      %gather3A_78 = tpu.vector_load_idx %arg11[%add3A_77] : memref<48000xf32, #tpu.memory_space<vmem>>[vector<16xi32>], vector<16xf32>,
      %add3A_79 = arith.constant 0 : i32
      %add3A_80 = vector.broadcast %add3A_79 : i32 to vector<16xi32>
      %add3A_81 = arith.addi %add3A_71, %add3A_80 : vector<16xi32>
      %gather3A_82 = tpu.vector_load_idx %arg11[%add3A_81] : memref<48000xf32, #tpu.memory_space<vmem>>[vector<16xi32>], vector<16xf32>,
      %add3A_83 = arith.constant 0 : i32
      %add3A_84 = vector.broadcast %add3A_83 : i32 to vector<16xi32>
      %add3A_85 = arith.addi %add3A_74, %add3A_84 : vector<16xi32>
      %gather3A_86 = tpu.vector_load_idx %arg11[%add3A_85] : memref<48000xf32, #tpu.memory_space<vmem>>[vector<16xi32>], vector<16xf32>,
      %mul3A_87 = arith.mulf %gather3A_78, %gather3A_82 : vector<16xf32>
      %add3A_88 = arith.addf %gather3A_78, %gather3A_82 : vector<16xf32>
      %mul3A_89 = arith.mulf %gather3A_86, %add3A_88 : vector<16xf32>
      %add3A_90 = arith.addf %mul3A_87, %mul3A_89 : vector<16xf32>
      %add3A_91 = arith.addf %add3A_68, %add3A_90 : vector<16xf32>
      %add3A_92 = arith.constant 3000 : i32
      %add3A_93 = vector.broadcast %add3A_92 : i32 to vector<16xi32>
      %add3A_94 = arith.addi %and3A_37, %add3A_93 : vector<16xi32>
      %gather3A_95 = tpu.vector_load_idx %arg11[%add3A_94] : memref<48000xf32, #tpu.memory_space<vmem>>[vector<16xi32>], vector<16xf32>,
      %add3A_96 = arith.constant 3000 : i32
      %add3A_97 = vector.broadcast %add3A_96 : i32 to vector<16xi32>
      %add3A_98 = arith.addi %add3A_71, %add3A_97 : vector<16xi32>
      %gather3A_99 = tpu.vector_load_idx %arg11[%add3A_98] : memref<48000xf32, #tpu.memory_space<vmem>>[vector<16xi32>], vector<16xf32>,
      %add3A_100 = arith.constant 3000 : i32
      %add3A_101 = vector.broadcast %add3A_100 : i32 to vector<16xi32>
      %add3A_102 = arith.addi %add3A_74, %add3A_101 : vector<16xi32>
      %gather3A_103 = tpu.vector_load_idx %arg11[%add3A_102] : memref<48000xf32, #tpu.memory_space<vmem>>[vector<16xi32>], vector<16xf32>,
      %mul3A_104 = arith.mulf %gather3A_95, %gather3A_99 : vector<16xf32>
      %add3A_105 = arith.addf %gather3A_95, %gather3A_99 : vector<16xf32>
      %mul3A_106 = arith.mulf %gather3A_103, %add3A_105 : vector<16xf32>
      %add3A_107 = arith.addf %mul3A_104, %mul3A_106 : vector<16xf32>
      %add3A_108 = arith.constant 6000 : i32
      %add3A_109 = vector.broadcast %add3A_108 : i32 to vector<16xi32>
      %add3A_110 = arith.addi %and3A_37, %add3A_109 : vector<16xi32>
      %gather3A_111 = tpu.vector_load_idx %arg11[%add3A_110] : memref<48000xf32, #tpu.memory_space<vmem>>[vector<16xi32>], vector<16xf32>,
      %add3A_112 = arith.constant 6000 : i32
      %add3A_113 = vector.broadcast %add3A_112 : i32 to vector<16xi32>
      %add3A_114 = arith.addi %add3A_71, %add3A_113 : vector<16xi32>
      %gather3A_115 = tpu.vector_load_idx %arg11[%add3A_114] : memref<48000xf32, #tpu.memory_space<vmem>>[vector<16xi32>], vector<16xf32>,
      %add3A_116 = arith.constant 6000 : i32
      %add3A_117 = vector.broadcast %add3A_116 : i32 to vector<16xi32>
      %add3A_118 = arith.addi %add3A_74, %add3A_117 : vector<16xi32>
      %gather3A_119 = tpu.vector_load_idx %arg11[%add3A_118] : memref<48000xf32, #tpu.memory_space<vmem>>[vector<16xi32>], vector<16xf32>,
      %mul3A_120 = arith.mulf %gather3A_111, %gather3A_115 : vector<16xf32>
      %add3A_121 = arith.addf %gather3A_111, %gather3A_115 : vector<16xf32>
      %mul3A_122 = arith.mulf %gather3A_119, %add3A_121 : vector<16xf32>
      %add3A_123 = arith.addf %mul3A_120, %mul3A_122 : vector<16xf32>
      %add3A_124 = arith.constant 9000 : i32
      %add3A_125 = vector.broadcast %add3A_124 : i32 to vector<16xi32>
      %add3A_126 = arith.addi %and3A_37, %add3A_125 : vector<16xi32>
      %gather3A_127 = tpu.vector_load_idx %arg11[%add3A_126] : memref<48000xf32, #tpu.memory_space<vmem>>[vector<16xi32>], vector<16xf32>,
      %add3A_128 = arith.constant 9000 : i32
      %add3A_129 = vector.broadcast %add3A_128 : i32 to vector<16xi32>
      %add3A_130 = arith.addi %add3A_71, %add3A_129 : vector<16xi32>
      %gather3A_131 = tpu.vector_load_idx %arg11[%add3A_130] : memref<48000xf32, #tpu.memory_space<vmem>>[vector<16xi32>], vector<16xf32>,
      %add3A_132 = arith.constant 9000 : i32
      %add3A_133 = vector.broadcast %add3A_132 : i32 to vector<16xi32>
      %add3A_134 = arith.addi %add3A_74, %add3A_133 : vector<16xi32>
      %gather3A_135 = tpu.vector_load_idx %arg11[%add3A_134] : memref<48000xf32, #tpu.memory_space<vmem>>[vector<16xi32>], vector<16xf32>,
      %mul3A_136 = arith.mulf %gather3A_127, %gather3A_131 : vector<16xf32>
      %add3A_137 = arith.addf %gather3A_127, %gather3A_131 : vector<16xf32>
      %mul3A_138 = arith.mulf %gather3A_135, %add3A_137 : vector<16xf32>
      %add3A_139 = arith.addf %mul3A_136, %mul3A_138 : vector<16xf32>
      %add3A_140 = arith.constant 12000 : i32
      %add3A_141 = vector.broadcast %add3A_140 : i32 to vector<16xi32>
      %add3A_142 = arith.addi %and3A_37, %add3A_141 : vector<16xi32>
      %gather3A_143 = tpu.vector_load_idx %arg11[%add3A_142] : memref<48000xf32, #tpu.memory_space<vmem>>[vector<16xi32>], vector<16xf32>,
      %add3A_144 = arith.constant 12000 : i32
      %add3A_145 = vector.broadcast %add3A_144 : i32 to vector<16xi32>
      %add3A_146 = arith.addi %add3A_71, %add3A_145 : vector<16xi32>
      %gather3A_147 = tpu.vector_load_idx %arg11[%add3A_146] : memref<48000xf32, #tpu.memory_space<vmem>>[vector<16xi32>], vector<16xf32>,
      %add3A_148 = arith.constant 12000 : i32
      %add3A_149 = vector.broadcast %add3A_148 : i32 to vector<16xi32>
      %add3A_150 = arith.addi %add3A_74, %add3A_149 : vector<16xi32>
      %gather3A_151 = tpu.vector_load_idx %arg11[%add3A_150] : memref<48000xf32, #tpu.memory_space<vmem>>[vector<16xi32>], vector<16xf32>,
      %mul3A_152 = arith.mulf %gather3A_143, %gather3A_147 : vector<16xf32>
      %add3A_153 = arith.addf %gather3A_143, %gather3A_147 : vector<16xf32>
      %mul3A_154 = arith.mulf %gather3A_151, %add3A_153 : vector<16xf32>
      %add3A_155 = arith.addf %mul3A_152, %mul3A_154 : vector<16xf32>
      %add3A_156 = arith.addf %add3A_91, %add3A_155 : vector<16xf32>
      %add3A_157 = arith.constant 15000 : i32
      %add3A_158 = vector.broadcast %add3A_157 : i32 to vector<16xi32>
      %add3A_159 = arith.addi %and3A_37, %add3A_158 : vector<16xi32>
      %gather3A_160 = tpu.vector_load_idx %arg11[%add3A_159] : memref<48000xf32, #tpu.memory_space<vmem>>[vector<16xi32>], vector<16xf32>,
      %add3A_161 = arith.constant 15000 : i32
      %add3A_162 = vector.broadcast %add3A_161 : i32 to vector<16xi32>
      %add3A_163 = arith.addi %add3A_71, %add3A_162 : vector<16xi32>
      %gather3A_164 = tpu.vector_load_idx %arg11[%add3A_163] : memref<48000xf32, #tpu.memory_space<vmem>>[vector<16xi32>], vector<16xf32>,
      %add3A_165 = arith.constant 15000 : i32
      %add3A_166 = vector.broadcast %add3A_165 : i32 to vector<16xi32>
      %add3A_167 = arith.addi %add3A_74, %add3A_166 : vector<16xi32>
      %gather3A_168 = tpu.vector_load_idx %arg11[%add3A_167] : memref<48000xf32, #tpu.memory_space<vmem>>[vector<16xi32>], vector<16xf32>,
      %mul3A_169 = arith.mulf %gather3A_160, %gather3A_164 : vector<16xf32>
      %add3A_170 = arith.addf %gather3A_160, %gather3A_164 : vector<16xf32>
      %mul3A_171 = arith.mulf %gather3A_168, %add3A_170 : vector<16xf32>
      %add3A_172 = arith.addf %mul3A_169, %mul3A_171 : vector<16xf32>
      %add3A_173 = arith.addf %add3A_107, %add3A_172 : vector<16xf32>
      %add3A_174 = arith.constant 18000 : i32
      %add3A_175 = vector.broadcast %add3A_174 : i32 to vector<16xi32>
      %add3A_176 = arith.addi %and3A_37, %add3A_175 : vector<16xi32>
      %gather3A_177 = tpu.vector_load_idx %arg11[%add3A_176] : memref<48000xf32, #tpu.memory_space<vmem>>[vector<16xi32>], vector<16xf32>,
      %add3A_178 = arith.constant 18000 : i32
      %add3A_179 = vector.broadcast %add3A_178 : i32 to vector<16xi32>
      %add3A_180 = arith.addi %add3A_71, %add3A_179 : vector<16xi32>
      %gather3A_181 = tpu.vector_load_idx %arg11[%add3A_180] : memref<48000xf32, #tpu.memory_space<vmem>>[vector<16xi32>], vector<16xf32>,
      %add3A_182 = arith.constant 18000 : i32
      %add3A_183 = vector.broadcast %add3A_182 : i32 to vector<16xi32>
      %add3A_184 = arith.addi %add3A_74, %add3A_183 : vector<16xi32>
      %gather3A_185 = tpu.vector_load_idx %arg11[%add3A_184] : memref<48000xf32, #tpu.memory_space<vmem>>[vector<16xi32>], vector<16xf32>,
      %mul3A_186 = arith.mulf %gather3A_177, %gather3A_181 : vector<16xf32>
      %add3A_187 = arith.addf %gather3A_177, %gather3A_181 : vector<16xf32>
      %mul3A_188 = arith.mulf %gather3A_185, %add3A_187 : vector<16xf32>
      %add3A_189 = arith.addf %mul3A_186, %mul3A_188 : vector<16xf32>
      %add3A_190 = arith.addf %add3A_123, %add3A_189 : vector<16xf32>
      %add3A_191 = arith.constant 21000 : i32
      %add3A_192 = vector.broadcast %add3A_191 : i32 to vector<16xi32>
      %add3A_193 = arith.addi %and3A_37, %add3A_192 : vector<16xi32>
      %gather3A_194 = tpu.vector_load_idx %arg11[%add3A_193] : memref<48000xf32, #tpu.memory_space<vmem>>[vector<16xi32>], vector<16xf32>,
      %add3A_195 = arith.constant 21000 : i32
      %add3A_196 = vector.broadcast %add3A_195 : i32 to vector<16xi32>
      %add3A_197 = arith.addi %add3A_71, %add3A_196 : vector<16xi32>
      %gather3A_198 = tpu.vector_load_idx %arg11[%add3A_197] : memref<48000xf32, #tpu.memory_space<vmem>>[vector<16xi32>], vector<16xf32>,
      %add3A_199 = arith.constant 21000 : i32
      %add3A_200 = vector.broadcast %add3A_199 : i32 to vector<16xi32>
      %add3A_201 = arith.addi %add3A_74, %add3A_200 : vector<16xi32>
      %gather3A_202 = tpu.vector_load_idx %arg11[%add3A_201] : memref<48000xf32, #tpu.memory_space<vmem>>[vector<16xi32>], vector<16xf32>,
      %mul3A_203 = arith.mulf %gather3A_194, %gather3A_198 : vector<16xf32>
      %add3A_204 = arith.addf %gather3A_194, %gather3A_198 : vector<16xf32>
      %mul3A_205 = arith.mulf %gather3A_202, %add3A_204 : vector<16xf32>
      %add3A_206 = arith.addf %mul3A_203, %mul3A_205 : vector<16xf32>
      %add3A_207 = arith.addf %add3A_139, %add3A_206 : vector<16xf32>
      %add3A_208 = arith.constant 24000 : i32
      %add3A_209 = vector.broadcast %add3A_208 : i32 to vector<16xi32>
      %add3A_210 = arith.addi %and3A_37, %add3A_209 : vector<16xi32>
      %gather3A_211 = tpu.vector_load_idx %arg11[%add3A_210] : memref<48000xf32, #tpu.memory_space<vmem>>[vector<16xi32>], vector<16xf32>,
      %add3A_212 = arith.constant 24000 : i32
      %add3A_213 = vector.broadcast %add3A_212 : i32 to vector<16xi32>
      %add3A_214 = arith.addi %add3A_71, %add3A_213 : vector<16xi32>
      %gather3A_215 = tpu.vector_load_idx %arg11[%add3A_214] : memref<48000xf32, #tpu.memory_space<vmem>>[vector<16xi32>], vector<16xf32>,
      %add3A_216 = arith.constant 24000 : i32
      %add3A_217 = vector.broadcast %add3A_216 : i32 to vector<16xi32>
      %add3A_218 = arith.addi %add3A_74, %add3A_217 : vector<16xi32>
      %gather3A_219 = tpu.vector_load_idx %arg11[%add3A_218] : memref<48000xf32, #tpu.memory_space<vmem>>[vector<16xi32>], vector<16xf32>,
      %mul3A_220 = arith.mulf %gather3A_211, %gather3A_215 : vector<16xf32>
      %add3A_221 = arith.addf %gather3A_211, %gather3A_215 : vector<16xf32>
      %mul3A_222 = arith.mulf %gather3A_219, %add3A_221 : vector<16xf32>
      %add3A_223 = arith.addf %mul3A_220, %mul3A_222 : vector<16xf32>
      %add3A_224 = arith.addf %add3A_156, %add3A_223 : vector<16xf32>
      %add3A_225 = arith.constant 27000 : i32
      %add3A_226 = vector.broadcast %add3A_225 : i32 to vector<16xi32>
      %add3A_227 = arith.addi %and3A_37, %add3A_226 : vector<16xi32>
      %gather3A_228 = tpu.vector_load_idx %arg11[%add3A_227] : memref<48000xf32, #tpu.memory_space<vmem>>[vector<16xi32>], vector<16xf32>,
      %add3A_229 = arith.constant 27000 : i32
      %add3A_230 = vector.broadcast %add3A_229 : i32 to vector<16xi32>
      %add3A_231 = arith.addi %add3A_71, %add3A_230 : vector<16xi32>
      %gather3A_232 = tpu.vector_load_idx %arg11[%add3A_231] : memref<48000xf32, #tpu.memory_space<vmem>>[vector<16xi32>], vector<16xf32>,
      %add3A_233 = arith.constant 27000 : i32
      %add3A_234 = vector.broadcast %add3A_233 : i32 to vector<16xi32>
      %add3A_235 = arith.addi %add3A_74, %add3A_234 : vector<16xi32>
      %gather3A_236 = tpu.vector_load_idx %arg11[%add3A_235] : memref<48000xf32, #tpu.memory_space<vmem>>[vector<16xi32>], vector<16xf32>,
      %mul3A_237 = arith.mulf %gather3A_228, %gather3A_232 : vector<16xf32>
      %add3A_238 = arith.addf %gather3A_228, %gather3A_232 : vector<16xf32>
      %mul3A_239 = arith.mulf %gather3A_236, %add3A_238 : vector<16xf32>
      %add3A_240 = arith.addf %mul3A_237, %mul3A_239 : vector<16xf32>
      %add3A_241 = arith.addf %add3A_173, %add3A_240 : vector<16xf32>
      %add3A_242 = arith.constant 30000 : i32
      %add3A_243 = vector.broadcast %add3A_242 : i32 to vector<16xi32>
      %add3A_244 = arith.addi %and3A_37, %add3A_243 : vector<16xi32>
      %gather3A_245 = tpu.vector_load_idx %arg11[%add3A_244] : memref<48000xf32, #tpu.memory_space<vmem>>[vector<16xi32>], vector<16xf32>,
      %add3A_246 = arith.constant 30000 : i32
      %add3A_247 = vector.broadcast %add3A_246 : i32 to vector<16xi32>
      %add3A_248 = arith.addi %add3A_71, %add3A_247 : vector<16xi32>
      %gather3A_249 = tpu.vector_load_idx %arg11[%add3A_248] : memref<48000xf32, #tpu.memory_space<vmem>>[vector<16xi32>], vector<16xf32>,
      %add3A_250 = arith.constant 30000 : i32
      %add3A_251 = vector.broadcast %add3A_250 : i32 to vector<16xi32>
      %add3A_252 = arith.addi %add3A_74, %add3A_251 : vector<16xi32>
      %gather3A_253 = tpu.vector_load_idx %arg11[%add3A_252] : memref<48000xf32, #tpu.memory_space<vmem>>[vector<16xi32>], vector<16xf32>,
      %mul3A_254 = arith.mulf %gather3A_245, %gather3A_249 : vector<16xf32>
      %add3A_255 = arith.addf %gather3A_245, %gather3A_249 : vector<16xf32>
      %mul3A_256 = arith.mulf %gather3A_253, %add3A_255 : vector<16xf32>
      %add3A_257 = arith.addf %mul3A_254, %mul3A_256 : vector<16xf32>
      %add3A_258 = arith.addf %add3A_190, %add3A_257 : vector<16xf32>
      %add3A_259 = arith.constant 33000 : i32
      %add3A_260 = vector.broadcast %add3A_259 : i32 to vector<16xi32>
      %add3A_261 = arith.addi %and3A_37, %add3A_260 : vector<16xi32>
      %gather3A_262 = tpu.vector_load_idx %arg11[%add3A_261] : memref<48000xf32, #tpu.memory_space<vmem>>[vector<16xi32>], vector<16xf32>,
      %add3A_263 = arith.constant 33000 : i32
      %add3A_264 = vector.broadcast %add3A_263 : i32 to vector<16xi32>
      %add3A_265 = arith.addi %add3A_71, %add3A_264 : vector<16xi32>
      %gather3A_266 = tpu.vector_load_idx %arg11[%add3A_265] : memref<48000xf32, #tpu.memory_space<vmem>>[vector<16xi32>], vector<16xf32>,
      %add3A_267 = arith.constant 33000 : i32
      %add3A_268 = vector.broadcast %add3A_267 : i32 to vector<16xi32>
      %add3A_269 = arith.addi %add3A_74, %add3A_268 : vector<16xi32>
      %gather3A_270 = tpu.vector_load_idx %arg11[%add3A_269] : memref<48000xf32, #tpu.memory_space<vmem>>[vector<16xi32>], vector<16xf32>,
      %mul3A_271 = arith.mulf %gather3A_262, %gather3A_266 : vector<16xf32>
      %add3A_272 = arith.addf %gather3A_262, %gather3A_266 : vector<16xf32>
      %mul3A_273 = arith.mulf %gather3A_270, %add3A_272 : vector<16xf32>
      %add3A_274 = arith.addf %mul3A_271, %mul3A_273 : vector<16xf32>
      %add3A_275 = arith.addf %add3A_207, %add3A_274 : vector<16xf32>
      %add3A_276 = arith.constant 36000 : i32
      %add3A_277 = vector.broadcast %add3A_276 : i32 to vector<16xi32>
      %add3A_278 = arith.addi %and3A_37, %add3A_277 : vector<16xi32>
      %gather3A_279 = tpu.vector_load_idx %arg11[%add3A_278] : memref<48000xf32, #tpu.memory_space<vmem>>[vector<16xi32>], vector<16xf32>,
      %add3A_280 = arith.constant 36000 : i32
      %add3A_281 = vector.broadcast %add3A_280 : i32 to vector<16xi32>
      %add3A_282 = arith.addi %add3A_71, %add3A_281 : vector<16xi32>
      %gather3A_283 = tpu.vector_load_idx %arg11[%add3A_282] : memref<48000xf32, #tpu.memory_space<vmem>>[vector<16xi32>], vector<16xf32>,
      %add3A_284 = arith.constant 36000 : i32
      %add3A_285 = vector.broadcast %add3A_284 : i32 to vector<16xi32>
      %add3A_286 = arith.addi %add3A_74, %add3A_285 : vector<16xi32>
      %gather3A_287 = tpu.vector_load_idx %arg11[%add3A_286] : memref<48000xf32, #tpu.memory_space<vmem>>[vector<16xi32>], vector<16xf32>,
      %mul3A_288 = arith.mulf %gather3A_279, %gather3A_283 : vector<16xf32>
      %add3A_289 = arith.addf %gather3A_279, %gather3A_283 : vector<16xf32>
      %mul3A_290 = arith.mulf %gather3A_287, %add3A_289 : vector<16xf32>
      %add3A_291 = arith.addf %mul3A_288, %mul3A_290 : vector<16xf32>
      %add3A_292 = arith.addf %add3A_224, %add3A_291 : vector<16xf32>
      %add3A_293 = arith.constant 39000 : i32
      %add3A_294 = vector.broadcast %add3A_293 : i32 to vector<16xi32>
      %add3A_295 = arith.addi %and3A_37, %add3A_294 : vector<16xi32>
      %gather3A_296 = tpu.vector_load_idx %arg11[%add3A_295] : memref<48000xf32, #tpu.memory_space<vmem>>[vector<16xi32>], vector<16xf32>,
      %add3A_297 = arith.constant 39000 : i32
      %add3A_298 = vector.broadcast %add3A_297 : i32 to vector<16xi32>
      %add3A_299 = arith.addi %add3A_71, %add3A_298 : vector<16xi32>
      %gather3A_300 = tpu.vector_load_idx %arg11[%add3A_299] : memref<48000xf32, #tpu.memory_space<vmem>>[vector<16xi32>], vector<16xf32>,
      %add3A_301 = arith.constant 39000 : i32
      %add3A_302 = vector.broadcast %add3A_301 : i32 to vector<16xi32>
      %add3A_303 = arith.addi %add3A_74, %add3A_302 : vector<16xi32>
      %gather3A_304 = tpu.vector_load_idx %arg11[%add3A_303] : memref<48000xf32, #tpu.memory_space<vmem>>[vector<16xi32>], vector<16xf32>,
      %mul3A_305 = arith.mulf %gather3A_296, %gather3A_300 : vector<16xf32>
      %add3A_306 = arith.addf %gather3A_296, %gather3A_300 : vector<16xf32>
      %mul3A_307 = arith.mulf %gather3A_304, %add3A_306 : vector<16xf32>
      %add3A_308 = arith.addf %mul3A_305, %mul3A_307 : vector<16xf32>
      %add3A_309 = arith.addf %add3A_241, %add3A_308 : vector<16xf32>
      %add3A_310 = arith.constant 42000 : i32
      %add3A_311 = vector.broadcast %add3A_310 : i32 to vector<16xi32>
      %add3A_312 = arith.addi %and3A_37, %add3A_311 : vector<16xi32>
      %gather3A_313 = tpu.vector_load_idx %arg11[%add3A_312] : memref<48000xf32, #tpu.memory_space<vmem>>[vector<16xi32>], vector<16xf32>,
      %add3A_314 = arith.constant 42000 : i32
      %add3A_315 = vector.broadcast %add3A_314 : i32 to vector<16xi32>
      %add3A_316 = arith.addi %add3A_71, %add3A_315 : vector<16xi32>
      %gather3A_317 = tpu.vector_load_idx %arg11[%add3A_316] : memref<48000xf32, #tpu.memory_space<vmem>>[vector<16xi32>], vector<16xf32>,
      %add3A_318 = arith.constant 42000 : i32
      %add3A_319 = vector.broadcast %add3A_318 : i32 to vector<16xi32>
      %add3A_320 = arith.addi %add3A_74, %add3A_319 : vector<16xi32>
      %gather3A_321 = tpu.vector_load_idx %arg11[%add3A_320] : memref<48000xf32, #tpu.memory_space<vmem>>[vector<16xi32>], vector<16xf32>,
      %mul3A_322 = arith.mulf %gather3A_313, %gather3A_317 : vector<16xf32>
      %add3A_323 = arith.addf %gather3A_313, %gather3A_317 : vector<16xf32>
      %mul3A_324 = arith.mulf %gather3A_321, %add3A_323 : vector<16xf32>
      %add3A_325 = arith.addf %mul3A_322, %mul3A_324 : vector<16xf32>
      %add3A_326 = arith.addf %add3A_258, %add3A_325 : vector<16xf32>
      %add3A_327 = arith.constant 45000 : i32
      %add3A_328 = vector.broadcast %add3A_327 : i32 to vector<16xi32>
      %add3A_329 = arith.addi %and3A_37, %add3A_328 : vector<16xi32>
      %gather3A_330 = tpu.vector_load_idx %arg11[%add3A_329] : memref<48000xf32, #tpu.memory_space<vmem>>[vector<16xi32>], vector<16xf32>,
      %add3A_331 = arith.constant 45000 : i32
      %add3A_332 = vector.broadcast %add3A_331 : i32 to vector<16xi32>
      %add3A_333 = arith.addi %add3A_71, %add3A_332 : vector<16xi32>
      %gather3A_334 = tpu.vector_load_idx %arg11[%add3A_333] : memref<48000xf32, #tpu.memory_space<vmem>>[vector<16xi32>], vector<16xf32>,
      %add3A_335 = arith.constant 45000 : i32
      %add3A_336 = vector.broadcast %add3A_335 : i32 to vector<16xi32>
      %add3A_337 = arith.addi %add3A_74, %add3A_336 : vector<16xi32>
      %gather3A_338 = tpu.vector_load_idx %arg11[%add3A_337] : memref<48000xf32, #tpu.memory_space<vmem>>[vector<16xi32>], vector<16xf32>,
      %mul3A_339 = arith.mulf %gather3A_330, %gather3A_334 : vector<16xf32>
      %add3A_340 = arith.addf %gather3A_330, %gather3A_334 : vector<16xf32>
      %mul3A_341 = arith.mulf %gather3A_338, %add3A_340 : vector<16xf32>
      %add3A_342 = arith.addf %mul3A_339, %mul3A_341 : vector<16xf32>
      %add3A_343 = arith.addf %add3A_275, %add3A_342 : vector<16xf32>
      %add3A_344 = arith.addf %add3A_292, %add3A_309 : vector<16xf32>
      %add3A_345 = arith.addf %add3A_326, %add3A_343 : vector<16xf32>
      %add3A_346 = arith.addf %add3A_344, %add3A_345 : vector<16xf32>
      %neg3A = arith.constant 0.000000e+00 : f32
      %neg3A_347 = vector.broadcast %neg3A : f32 to vector<16xf32>
      %neg3A_348 = arith.subf %neg3A_347, %add3A_346 : vector<16xf32>
      %exp3A = math.exp %neg3A_348 : vector<16xf32>
      %add3A_349 = arith.constant 1.000000e+00 : f32
      %add3A_350 = vector.broadcast %add3A_349 : f32 to vector<16xf32>
      %add3A_351 = arith.addf %add3A_350, %exp3A : vector<16xf32>
      %div3A = arith.constant 1.000000e+00 : f32
      %div3A_352 = vector.broadcast %div3A : f32 to vector<16xf32>
      %div3A_353 = arith.divf %div3A_352, %add3A_351 : vector<16xf32>
      %swap3A = arith.index_cast %add3A_34 : i32 to index
      %swap3A_354 = tpu.vector_load %arg13[%swap3A] {strides = array<i32>} : memref<512xf32, #tpu.memory_space<vmem>>, vector<16xf32>,
      tpu.vector_store %arg13[%swap3A], %div3A_353 {strides = array<i32>} : memref<512xf32, #tpu.memory_space<vmem>>, vector<16xf32>,
      %add3A_355 = arith.constant 16 : i32
      %add3A_356 = arith.addi %mul3A_32, %add3A_355 : i32
      %get3A_357 = arith.index_cast %add3A_356 : i32 to index
      %get3A_358 = tpu.vector_load %arg8[%get3A_357] {strides = array<i32>} : memref<512xi32, #tpu.memory_space<vmem>>, vector<16xi32>,
      %and3A_359 = arith.constant 1023 : i32
      %and3A_360 = vector.broadcast %and3A_359 : i32 to vector<16xi32>
      %and3A_361 = arith.andi %get3A_358, %and3A_360 : vector<16xi32>
      %shift_right_arithmetic3A_362 = arith.constant 10 : i32
      %shift_right_arithmetic3A_363 = vector.broadcast %shift_right_arithmetic3A_362 : i32 to vector<16xi32>
      %shift_right_arithmetic3A_364 = arith.shrsi %get3A_358, %shift_right_arithmetic3A_363 : vector<16xi32>
      %and3A_365 = arith.constant 1023 : i32
      %and3A_366 = vector.broadcast %and3A_365 : i32 to vector<16xi32>
      %and3A_367 = arith.andi %shift_right_arithmetic3A_364, %and3A_366 : vector<16xi32>
      %shift_right_arithmetic3A_368 = arith.constant 20 : i32
      %shift_right_arithmetic3A_369 = vector.broadcast %shift_right_arithmetic3A_368 : i32 to vector<16xi32>
      %shift_right_arithmetic3A_370 = arith.shrsi %get3A_358, %shift_right_arithmetic3A_369 : vector<16xi32>
      %get3A_371 = arith.index_cast %add3A_356 : i32 to index
      %get3A_372 = tpu.vector_load %arg9[%get3A_371] {strides = array<i32>} : memref<512xf32, #tpu.memory_space<vmem>>, vector<16xf32>,
      %get3A_373 = arith.index_cast %add3A_356 : i32 to index
      %get3A_374 = tpu.vector_load %arg10[%get3A_373] {strides = array<i32>} : memref<512xf32, #tpu.memory_space<vmem>>, vector<16xf32>,
      %add3A_375 = arith.constant 10 : i32
      %add3A_376 = vector.broadcast %add3A_375 : i32 to vector<16xi32>
      %add3A_377 = arith.addi %and3A_361, %add3A_376 : vector<16xi32>
      %gather3A_378 = tpu.vector_load_idx %arg12[%add3A_377] : memref<3072xf32, #tpu.memory_space<vmem>>[vector<16xi32>], vector<16xf32>,
      %add3A_379 = arith.constant 1010 : i32
      %add3A_380 = vector.broadcast %add3A_379 : i32 to vector<16xi32>
      %add3A_381 = arith.addi %and3A_367, %add3A_380 : vector<16xi32>
      %gather3A_382 = tpu.vector_load_idx %arg12[%add3A_381] : memref<3072xf32, #tpu.memory_space<vmem>>[vector<16xi32>], vector<16xf32>,
      %add3A_383 = arith.addf %gather3A_378, %gather3A_382 : vector<16xf32>
      %add3A_384 = arith.constant 2010 : i32
      %add3A_385 = vector.broadcast %add3A_384 : i32 to vector<16xi32>
      %add3A_386 = arith.addi %shift_right_arithmetic3A_370, %add3A_385 : vector<16xi32>
      %gather3A_387 = tpu.vector_load_idx %arg12[%add3A_386] : memref<3072xf32, #tpu.memory_space<vmem>>[vector<16xi32>], vector<16xf32>,
      %add3A_388 = arith.addf %add3A_383, %gather3A_387 : vector<16xf32>
      %mul3A_389 = arith.mulf %get3A_372, %gather3A : vector<16xf32>
      %mul3A_390 = arith.mulf %get3A_374, %gather3A_20 : vector<16xf32>
      %add3A_391 = arith.addf %mul3A_389, %mul3A_390 : vector<16xf32>
      %add3A_392 = arith.addf %add3A_391, %gather3A_24 : vector<16xf32>
      %add3A_393 = arith.addf %add3A_392, %add3A_388 : vector<16xf32>
      %add3A_394 = arith.constant 1000 : i32
      %add3A_395 = vector.broadcast %add3A_394 : i32 to vector<16xi32>
      %add3A_396 = arith.addi %and3A_367, %add3A_395 : vector<16xi32>
      %add3A_397 = arith.constant 2000 : i32
      %add3A_398 = vector.broadcast %add3A_397 : i32 to vector<16xi32>
      %add3A_399 = arith.addi %shift_right_arithmetic3A_370, %add3A_398 : vector<16xi32>
      %add3A_400 = arith.constant 0 : i32
      %add3A_401 = vector.broadcast %add3A_400 : i32 to vector<16xi32>
      %add3A_402 = arith.addi %and3A_361, %add3A_401 : vector<16xi32>
      %gather3A_403 = tpu.vector_load_idx %arg11[%add3A_402] : memref<48000xf32, #tpu.memory_space<vmem>>[vector<16xi32>], vector<16xf32>,
      %add3A_404 = arith.constant 0 : i32
      %add3A_405 = vector.broadcast %add3A_404 : i32 to vector<16xi32>
      %add3A_406 = arith.addi %add3A_396, %add3A_405 : vector<16xi32>
      %gather3A_407 = tpu.vector_load_idx %arg11[%add3A_406] : memref<48000xf32, #tpu.memory_space<vmem>>[vector<16xi32>], vector<16xf32>,
      %add3A_408 = arith.constant 0 : i32
      %add3A_409 = vector.broadcast %add3A_408 : i32 to vector<16xi32>
      %add3A_410 = arith.addi %add3A_399, %add3A_409 : vector<16xi32>
      %gather3A_411 = tpu.vector_load_idx %arg11[%add3A_410] : memref<48000xf32, #tpu.memory_space<vmem>>[vector<16xi32>], vector<16xf32>,
      %mul3A_412 = arith.mulf %gather3A_403, %gather3A_407 : vector<16xf32>
      %add3A_413 = arith.addf %gather3A_403, %gather3A_407 : vector<16xf32>
      %mul3A_414 = arith.mulf %gather3A_411, %add3A_413 : vector<16xf32>
      %add3A_415 = arith.addf %mul3A_412, %mul3A_414 : vector<16xf32>
      %add3A_416 = arith.addf %add3A_393, %add3A_415 : vector<16xf32>
      %add3A_417 = arith.constant 3000 : i32
      %add3A_418 = vector.broadcast %add3A_417 : i32 to vector<16xi32>
      %add3A_419 = arith.addi %and3A_361, %add3A_418 : vector<16xi32>
      %gather3A_420 = tpu.vector_load_idx %arg11[%add3A_419] : memref<48000xf32, #tpu.memory_space<vmem>>[vector<16xi32>], vector<16xf32>,
      %add3A_421 = arith.constant 3000 : i32
      %add3A_422 = vector.broadcast %add3A_421 : i32 to vector<16xi32>
      %add3A_423 = arith.addi %add3A_396, %add3A_422 : vector<16xi32>
      %gather3A_424 = tpu.vector_load_idx %arg11[%add3A_423] : memref<48000xf32, #tpu.memory_space<vmem>>[vector<16xi32>], vector<16xf32>,
      %add3A_425 = arith.constant 3000 : i32
      %add3A_426 = vector.broadcast %add3A_425 : i32 to vector<16xi32>
      %add3A_427 = arith.addi %add3A_399, %add3A_426 : vector<16xi32>
      %gather3A_428 = tpu.vector_load_idx %arg11[%add3A_427] : memref<48000xf32, #tpu.memory_space<vmem>>[vector<16xi32>], vector<16xf32>,
      %mul3A_429 = arith.mulf %gather3A_420, %gather3A_424 : vector<16xf32>
      %add3A_430 = arith.addf %gather3A_420, %gather3A_424 : vector<16xf32>
      %mul3A_431 = arith.mulf %gather3A_428, %add3A_430 : vector<16xf32>
      %add3A_432 = arith.addf %mul3A_429, %mul3A_431 : vector<16xf32>
      %add3A_433 = arith.constant 6000 : i32
      %add3A_434 = vector.broadcast %add3A_433 : i32 to vector<16xi32>
      %add3A_435 = arith.addi %and3A_361, %add3A_434 : vector<16xi32>
      %gather3A_436 = tpu.vector_load_idx %arg11[%add3A_435] : memref<48000xf32, #tpu.memory_space<vmem>>[vector<16xi32>], vector<16xf32>,
      %add3A_437 = arith.constant 6000 : i32
      %add3A_438 = vector.broadcast %add3A_437 : i32 to vector<16xi32>
      %add3A_439 = arith.addi %add3A_396, %add3A_438 : vector<16xi32>
      %gather3A_440 = tpu.vector_load_idx %arg11[%add3A_439] : memref<48000xf32, #tpu.memory_space<vmem>>[vector<16xi32>], vector<16xf32>,
      %add3A_441 = arith.constant 6000 : i32
      %add3A_442 = vector.broadcast %add3A_441 : i32 to vector<16xi32>
      %add3A_443 = arith.addi %add3A_399, %add3A_442 : vector<16xi32>
      %gather3A_444 = tpu.vector_load_idx %arg11[%add3A_443] : memref<48000xf32, #tpu.memory_space<vmem>>[vector<16xi32>], vector<16xf32>,
      %mul3A_445 = arith.mulf %gather3A_436, %gather3A_440 : vector<16xf32>
      %add3A_446 = arith.addf %gather3A_436, %gather3A_440 : vector<16xf32>
      %mul3A_447 = arith.mulf %gather3A_444, %add3A_446 : vector<16xf32>
      %add3A_448 = arith.addf %mul3A_445, %mul3A_447 : vector<16xf32>
      %add3A_449 = arith.constant 9000 : i32
      %add3A_450 = vector.broadcast %add3A_449 : i32 to vector<16xi32>
      %add3A_451 = arith.addi %and3A_361, %add3A_450 : vector<16xi32>
      %gather3A_452 = tpu.vector_load_idx %arg11[%add3A_451] : memref<48000xf32, #tpu.memory_space<vmem>>[vector<16xi32>], vector<16xf32>,
      %add3A_453 = arith.constant 9000 : i32
      %add3A_454 = vector.broadcast %add3A_453 : i32 to vector<16xi32>
      %add3A_455 = arith.addi %add3A_396, %add3A_454 : vector<16xi32>
      %gather3A_456 = tpu.vector_load_idx %arg11[%add3A_455] : memref<48000xf32, #tpu.memory_space<vmem>>[vector<16xi32>], vector<16xf32>,
      %add3A_457 = arith.constant 9000 : i32
      %add3A_458 = vector.broadcast %add3A_457 : i32 to vector<16xi32>
      %add3A_459 = arith.addi %add3A_399, %add3A_458 : vector<16xi32>
      %gather3A_460 = tpu.vector_load_idx %arg11[%add3A_459] : memref<48000xf32, #tpu.memory_space<vmem>>[vector<16xi32>], vector<16xf32>,
      %mul3A_461 = arith.mulf %gather3A_452, %gather3A_456 : vector<16xf32>
      %add3A_462 = arith.addf %gather3A_452, %gather3A_456 : vector<16xf32>
      %mul3A_463 = arith.mulf %gather3A_460, %add3A_462 : vector<16xf32>
      %add3A_464 = arith.addf %mul3A_461, %mul3A_463 : vector<16xf32>
      %add3A_465 = arith.constant 12000 : i32
      %add3A_466 = vector.broadcast %add3A_465 : i32 to vector<16xi32>
      %add3A_467 = arith.addi %and3A_361, %add3A_466 : vector<16xi32>
      %gather3A_468 = tpu.vector_load_idx %arg11[%add3A_467] : memref<48000xf32, #tpu.memory_space<vmem>>[vector<16xi32>], vector<16xf32>,
      %add3A_469 = arith.constant 12000 : i32
      %add3A_470 = vector.broadcast %add3A_469 : i32 to vector<16xi32>
      %add3A_471 = arith.addi %add3A_396, %add3A_470 : vector<16xi32>
      %gather3A_472 = tpu.vector_load_idx %arg11[%add3A_471] : memref<48000xf32, #tpu.memory_space<vmem>>[vector<16xi32>], vector<16xf32>,
      %add3A_473 = arith.constant 12000 : i32
      %add3A_474 = vector.broadcast %add3A_473 : i32 to vector<16xi32>
      %add3A_475 = arith.addi %add3A_399, %add3A_474 : vector<16xi32>
      %gather3A_476 = tpu.vector_load_idx %arg11[%add3A_475] : memref<48000xf32, #tpu.memory_space<vmem>>[vector<16xi32>], vector<16xf32>,
      %mul3A_477 = arith.mulf %gather3A_468, %gather3A_472 : vector<16xf32>
      %add3A_478 = arith.addf %gather3A_468, %gather3A_472 : vector<16xf32>
      %mul3A_479 = arith.mulf %gather3A_476, %add3A_478 : vector<16xf32>
      %add3A_480 = arith.addf %mul3A_477, %mul3A_479 : vector<16xf32>
      %add3A_481 = arith.addf %add3A_416, %add3A_480 : vector<16xf32>
      %add3A_482 = arith.constant 15000 : i32
      %add3A_483 = vector.broadcast %add3A_482 : i32 to vector<16xi32>
      %add3A_484 = arith.addi %and3A_361, %add3A_483 : vector<16xi32>
      %gather3A_485 = tpu.vector_load_idx %arg11[%add3A_484] : memref<48000xf32, #tpu.memory_space<vmem>>[vector<16xi32>], vector<16xf32>,
      %add3A_486 = arith.constant 15000 : i32
      %add3A_487 = vector.broadcast %add3A_486 : i32 to vector<16xi32>
      %add3A_488 = arith.addi %add3A_396, %add3A_487 : vector<16xi32>
      %gather3A_489 = tpu.vector_load_idx %arg11[%add3A_488] : memref<48000xf32, #tpu.memory_space<vmem>>[vector<16xi32>], vector<16xf32>,
      %add3A_490 = arith.constant 15000 : i32
      %add3A_491 = vector.broadcast %add3A_490 : i32 to vector<16xi32>
      %add3A_492 = arith.addi %add3A_399, %add3A_491 : vector<16xi32>
      %gather3A_493 = tpu.vector_load_idx %arg11[%add3A_492] : memref<48000xf32, #tpu.memory_space<vmem>>[vector<16xi32>], vector<16xf32>,
      %mul3A_494 = arith.mulf %gather3A_485, %gather3A_489 : vector<16xf32>
      %add3A_495 = arith.addf %gather3A_485, %gather3A_489 : vector<16xf32>
      %mul3A_496 = arith.mulf %gather3A_493, %add3A_495 : vector<16xf32>
      %add3A_497 = arith.addf %mul3A_494, %mul3A_496 : vector<16xf32>
      %add3A_498 = arith.addf %add3A_432, %add3A_497 : vector<16xf32>
      %add3A_499 = arith.constant 18000 : i32
      %add3A_500 = vector.broadcast %add3A_499 : i32 to vector<16xi32>
      %add3A_501 = arith.addi %and3A_361, %add3A_500 : vector<16xi32>
      %gather3A_502 = tpu.vector_load_idx %arg11[%add3A_501] : memref<48000xf32, #tpu.memory_space<vmem>>[vector<16xi32>], vector<16xf32>,
      %add3A_503 = arith.constant 18000 : i32
      %add3A_504 = vector.broadcast %add3A_503 : i32 to vector<16xi32>
      %add3A_505 = arith.addi %add3A_396, %add3A_504 : vector<16xi32>
      %gather3A_506 = tpu.vector_load_idx %arg11[%add3A_505] : memref<48000xf32, #tpu.memory_space<vmem>>[vector<16xi32>], vector<16xf32>,
      %add3A_507 = arith.constant 18000 : i32
      %add3A_508 = vector.broadcast %add3A_507 : i32 to vector<16xi32>
      %add3A_509 = arith.addi %add3A_399, %add3A_508 : vector<16xi32>
      %gather3A_510 = tpu.vector_load_idx %arg11[%add3A_509] : memref<48000xf32, #tpu.memory_space<vmem>>[vector<16xi32>], vector<16xf32>,
      %mul3A_511 = arith.mulf %gather3A_502, %gather3A_506 : vector<16xf32>
      %add3A_512 = arith.addf %gather3A_502, %gather3A_506 : vector<16xf32>
      %mul3A_513 = arith.mulf %gather3A_510, %add3A_512 : vector<16xf32>
      %add3A_514 = arith.addf %mul3A_511, %mul3A_513 : vector<16xf32>
      %add3A_515 = arith.addf %add3A_448, %add3A_514 : vector<16xf32>
      %add3A_516 = arith.constant 21000 : i32
      %add3A_517 = vector.broadcast %add3A_516 : i32 to vector<16xi32>
      %add3A_518 = arith.addi %and3A_361, %add3A_517 : vector<16xi32>
      %gather3A_519 = tpu.vector_load_idx %arg11[%add3A_518] : memref<48000xf32, #tpu.memory_space<vmem>>[vector<16xi32>], vector<16xf32>,
      %add3A_520 = arith.constant 21000 : i32
      %add3A_521 = vector.broadcast %add3A_520 : i32 to vector<16xi32>
      %add3A_522 = arith.addi %add3A_396, %add3A_521 : vector<16xi32>
      %gather3A_523 = tpu.vector_load_idx %arg11[%add3A_522] : memref<48000xf32, #tpu.memory_space<vmem>>[vector<16xi32>], vector<16xf32>,
      %add3A_524 = arith.constant 21000 : i32
      %add3A_525 = vector.broadcast %add3A_524 : i32 to vector<16xi32>
      %add3A_526 = arith.addi %add3A_399, %add3A_525 : vector<16xi32>
      %gather3A_527 = tpu.vector_load_idx %arg11[%add3A_526] : memref<48000xf32, #tpu.memory_space<vmem>>[vector<16xi32>], vector<16xf32>,
      %mul3A_528 = arith.mulf %gather3A_519, %gather3A_523 : vector<16xf32>
      %add3A_529 = arith.addf %gather3A_519, %gather3A_523 : vector<16xf32>
      %mul3A_530 = arith.mulf %gather3A_527, %add3A_529 : vector<16xf32>
      %add3A_531 = arith.addf %mul3A_528, %mul3A_530 : vector<16xf32>
      %add3A_532 = arith.addf %add3A_464, %add3A_531 : vector<16xf32>
      %add3A_533 = arith.constant 24000 : i32
      %add3A_534 = vector.broadcast %add3A_533 : i32 to vector<16xi32>
      %add3A_535 = arith.addi %and3A_361, %add3A_534 : vector<16xi32>
      %gather3A_536 = tpu.vector_load_idx %arg11[%add3A_535] : memref<48000xf32, #tpu.memory_space<vmem>>[vector<16xi32>], vector<16xf32>,
      %add3A_537 = arith.constant 24000 : i32
      %add3A_538 = vector.broadcast %add3A_537 : i32 to vector<16xi32>
      %add3A_539 = arith.addi %add3A_396, %add3A_538 : vector<16xi32>
      %gather3A_540 = tpu.vector_load_idx %arg11[%add3A_539] : memref<48000xf32, #tpu.memory_space<vmem>>[vector<16xi32>], vector<16xf32>,
      %add3A_541 = arith.constant 24000 : i32
      %add3A_542 = vector.broadcast %add3A_541 : i32 to vector<16xi32>
      %add3A_543 = arith.addi %add3A_399, %add3A_542 : vector<16xi32>
      %gather3A_544 = tpu.vector_load_idx %arg11[%add3A_543] : memref<48000xf32, #tpu.memory_space<vmem>>[vector<16xi32>], vector<16xf32>,
      %mul3A_545 = arith.mulf %gather3A_536, %gather3A_540 : vector<16xf32>
      %add3A_546 = arith.addf %gather3A_536, %gather3A_540 : vector<16xf32>
      %mul3A_547 = arith.mulf %gather3A_544, %add3A_546 : vector<16xf32>
      %add3A_548 = arith.addf %mul3A_545, %mul3A_547 : vector<16xf32>
      %add3A_549 = arith.addf %add3A_481, %add3A_548 : vector<16xf32>
      %add3A_550 = arith.constant 27000 : i32
      %add3A_551 = vector.broadcast %add3A_550 : i32 to vector<16xi32>
      %add3A_552 = arith.addi %and3A_361, %add3A_551 : vector<16xi32>
      %gather3A_553 = tpu.vector_load_idx %arg11[%add3A_552] : memref<48000xf32, #tpu.memory_space<vmem>>[vector<16xi32>], vector<16xf32>,
      %add3A_554 = arith.constant 27000 : i32
      %add3A_555 = vector.broadcast %add3A_554 : i32 to vector<16xi32>
      %add3A_556 = arith.addi %add3A_396, %add3A_555 : vector<16xi32>
      %gather3A_557 = tpu.vector_load_idx %arg11[%add3A_556] : memref<48000xf32, #tpu.memory_space<vmem>>[vector<16xi32>], vector<16xf32>,
      %add3A_558 = arith.constant 27000 : i32
      %add3A_559 = vector.broadcast %add3A_558 : i32 to vector<16xi32>
      %add3A_560 = arith.addi %add3A_399, %add3A_559 : vector<16xi32>
      %gather3A_561 = tpu.vector_load_idx %arg11[%add3A_560] : memref<48000xf32, #tpu.memory_space<vmem>>[vector<16xi32>], vector<16xf32>,
      %mul3A_562 = arith.mulf %gather3A_553, %gather3A_557 : vector<16xf32>
      %add3A_563 = arith.addf %gather3A_553, %gather3A_557 : vector<16xf32>
      %mul3A_564 = arith.mulf %gather3A_561, %add3A_563 : vector<16xf32>
      %add3A_565 = arith.addf %mul3A_562, %mul3A_564 : vector<16xf32>
      %add3A_566 = arith.addf %add3A_498, %add3A_565 : vector<16xf32>
      %add3A_567 = arith.constant 30000 : i32
      %add3A_568 = vector.broadcast %add3A_567 : i32 to vector<16xi32>
      %add3A_569 = arith.addi %and3A_361, %add3A_568 : vector<16xi32>
      %gather3A_570 = tpu.vector_load_idx %arg11[%add3A_569] : memref<48000xf32, #tpu.memory_space<vmem>>[vector<16xi32>], vector<16xf32>,
      %add3A_571 = arith.constant 30000 : i32
      %add3A_572 = vector.broadcast %add3A_571 : i32 to vector<16xi32>
      %add3A_573 = arith.addi %add3A_396, %add3A_572 : vector<16xi32>
      %gather3A_574 = tpu.vector_load_idx %arg11[%add3A_573] : memref<48000xf32, #tpu.memory_space<vmem>>[vector<16xi32>], vector<16xf32>,
      %add3A_575 = arith.constant 30000 : i32
      %add3A_576 = vector.broadcast %add3A_575 : i32 to vector<16xi32>
      %add3A_577 = arith.addi %add3A_399, %add3A_576 : vector<16xi32>
      %gather3A_578 = tpu.vector_load_idx %arg11[%add3A_577] : memref<48000xf32, #tpu.memory_space<vmem>>[vector<16xi32>], vector<16xf32>,
      %mul3A_579 = arith.mulf %gather3A_570, %gather3A_574 : vector<16xf32>
      %add3A_580 = arith.addf %gather3A_570, %gather3A_574 : vector<16xf32>
      %mul3A_581 = arith.mulf %gather3A_578, %add3A_580 : vector<16xf32>
      %add3A_582 = arith.addf %mul3A_579, %mul3A_581 : vector<16xf32>
      %add3A_583 = arith.addf %add3A_515, %add3A_582 : vector<16xf32>
      %add3A_584 = arith.constant 33000 : i32
      %add3A_585 = vector.broadcast %add3A_584 : i32 to vector<16xi32>
      %add3A_586 = arith.addi %and3A_361, %add3A_585 : vector<16xi32>
      %gather3A_587 = tpu.vector_load_idx %arg11[%add3A_586] : memref<48000xf32, #tpu.memory_space<vmem>>[vector<16xi32>], vector<16xf32>,
      %add3A_588 = arith.constant 33000 : i32
      %add3A_589 = vector.broadcast %add3A_588 : i32 to vector<16xi32>
      %add3A_590 = arith.addi %add3A_396, %add3A_589 : vector<16xi32>
      %gather3A_591 = tpu.vector_load_idx %arg11[%add3A_590] : memref<48000xf32, #tpu.memory_space<vmem>>[vector<16xi32>], vector<16xf32>,
      %add3A_592 = arith.constant 33000 : i32
      %add3A_593 = vector.broadcast %add3A_592 : i32 to vector<16xi32>
      %add3A_594 = arith.addi %add3A_399, %add3A_593 : vector<16xi32>
      %gather3A_595 = tpu.vector_load_idx %arg11[%add3A_594] : memref<48000xf32, #tpu.memory_space<vmem>>[vector<16xi32>], vector<16xf32>,
      %mul3A_596 = arith.mulf %gather3A_587, %gather3A_591 : vector<16xf32>
      %add3A_597 = arith.addf %gather3A_587, %gather3A_591 : vector<16xf32>
      %mul3A_598 = arith.mulf %gather3A_595, %add3A_597 : vector<16xf32>
      %add3A_599 = arith.addf %mul3A_596, %mul3A_598 : vector<16xf32>
      %add3A_600 = arith.addf %add3A_532, %add3A_599 : vector<16xf32>
      %add3A_601 = arith.constant 36000 : i32
      %add3A_602 = vector.broadcast %add3A_601 : i32 to vector<16xi32>
      %add3A_603 = arith.addi %and3A_361, %add3A_602 : vector<16xi32>
      %gather3A_604 = tpu.vector_load_idx %arg11[%add3A_603] : memref<48000xf32, #tpu.memory_space<vmem>>[vector<16xi32>], vector<16xf32>,
      %add3A_605 = arith.constant 36000 : i32
      %add3A_606 = vector.broadcast %add3A_605 : i32 to vector<16xi32>
      %add3A_607 = arith.addi %add3A_396, %add3A_606 : vector<16xi32>
      %gather3A_608 = tpu.vector_load_idx %arg11[%add3A_607] : memref<48000xf32, #tpu.memory_space<vmem>>[vector<16xi32>], vector<16xf32>,
      %add3A_609 = arith.constant 36000 : i32
      %add3A_610 = vector.broadcast %add3A_609 : i32 to vector<16xi32>
      %add3A_611 = arith.addi %add3A_399, %add3A_610 : vector<16xi32>
      %gather3A_612 = tpu.vector_load_idx %arg11[%add3A_611] : memref<48000xf32, #tpu.memory_space<vmem>>[vector<16xi32>], vector<16xf32>,
      %mul3A_613 = arith.mulf %gather3A_604, %gather3A_608 : vector<16xf32>
      %add3A_614 = arith.addf %gather3A_604, %gather3A_608 : vector<16xf32>
      %mul3A_615 = arith.mulf %gather3A_612, %add3A_614 : vector<16xf32>
      %add3A_616 = arith.addf %mul3A_613, %mul3A_615 : vector<16xf32>
      %add3A_617 = arith.addf %add3A_549, %add3A_616 : vector<16xf32>
      %add3A_618 = arith.constant 39000 : i32
      %add3A_619 = vector.broadcast %add3A_618 : i32 to vector<16xi32>
      %add3A_620 = arith.addi %and3A_361, %add3A_619 : vector<16xi32>
      %gather3A_621 = tpu.vector_load_idx %arg11[%add3A_620] : memref<48000xf32, #tpu.memory_space<vmem>>[vector<16xi32>], vector<16xf32>,
      %add3A_622 = arith.constant 39000 : i32
      %add3A_623 = vector.broadcast %add3A_622 : i32 to vector<16xi32>
      %add3A_624 = arith.addi %add3A_396, %add3A_623 : vector<16xi32>
      %gather3A_625 = tpu.vector_load_idx %arg11[%add3A_624] : memref<48000xf32, #tpu.memory_space<vmem>>[vector<16xi32>], vector<16xf32>,
      %add3A_626 = arith.constant 39000 : i32
      %add3A_627 = vector.broadcast %add3A_626 : i32 to vector<16xi32>
      %add3A_628 = arith.addi %add3A_399, %add3A_627 : vector<16xi32>
      %gather3A_629 = tpu.vector_load_idx %arg11[%add3A_628] : memref<48000xf32, #tpu.memory_space<vmem>>[vector<16xi32>], vector<16xf32>,
      %mul3A_630 = arith.mulf %gather3A_621, %gather3A_625 : vector<16xf32>
      %add3A_631 = arith.addf %gather3A_621, %gather3A_625 : vector<16xf32>
      %mul3A_632 = arith.mulf %gather3A_629, %add3A_631 : vector<16xf32>
      %add3A_633 = arith.addf %mul3A_630, %mul3A_632 : vector<16xf32>
      %add3A_634 = arith.addf %add3A_566, %add3A_633 : vector<16xf32>
      %add3A_635 = arith.constant 42000 : i32
      %add3A_636 = vector.broadcast %add3A_635 : i32 to vector<16xi32>
      %add3A_637 = arith.addi %and3A_361, %add3A_636 : vector<16xi32>
      %gather3A_638 = tpu.vector_load_idx %arg11[%add3A_637] : memref<48000xf32, #tpu.memory_space<vmem>>[vector<16xi32>], vector<16xf32>,
      %add3A_639 = arith.constant 42000 : i32
      %add3A_640 = vector.broadcast %add3A_639 : i32 to vector<16xi32>
      %add3A_641 = arith.addi %add3A_396, %add3A_640 : vector<16xi32>
      %gather3A_642 = tpu.vector_load_idx %arg11[%add3A_641] : memref<48000xf32, #tpu.memory_space<vmem>>[vector<16xi32>], vector<16xf32>,
      %add3A_643 = arith.constant 42000 : i32
      %add3A_644 = vector.broadcast %add3A_643 : i32 to vector<16xi32>
      %add3A_645 = arith.addi %add3A_399, %add3A_644 : vector<16xi32>
      %gather3A_646 = tpu.vector_load_idx %arg11[%add3A_645] : memref<48000xf32, #tpu.memory_space<vmem>>[vector<16xi32>], vector<16xf32>,
      %mul3A_647 = arith.mulf %gather3A_638, %gather3A_642 : vector<16xf32>
      %add3A_648 = arith.addf %gather3A_638, %gather3A_642 : vector<16xf32>
      %mul3A_649 = arith.mulf %gather3A_646, %add3A_648 : vector<16xf32>
      %add3A_650 = arith.addf %mul3A_647, %mul3A_649 : vector<16xf32>
      %add3A_651 = arith.addf %add3A_583, %add3A_650 : vector<16xf32>
      %add3A_652 = arith.constant 45000 : i32
      %add3A_653 = vector.broadcast %add3A_652 : i32 to vector<16xi32>
      %add3A_654 = arith.addi %and3A_361, %add3A_653 : vector<16xi32>
      %gather3A_655 = tpu.vector_load_idx %arg11[%add3A_654] : memref<48000xf32, #tpu.memory_space<vmem>>[vector<16xi32>], vector<16xf32>,
      %add3A_656 = arith.constant 45000 : i32
      %add3A_657 = vector.broadcast %add3A_656 : i32 to vector<16xi32>
      %add3A_658 = arith.addi %add3A_396, %add3A_657 : vector<16xi32>
      %gather3A_659 = tpu.vector_load_idx %arg11[%add3A_658] : memref<48000xf32, #tpu.memory_space<vmem>>[vector<16xi32>], vector<16xf32>,
      %add3A_660 = arith.constant 45000 : i32
      %add3A_661 = vector.broadcast %add3A_660 : i32 to vector<16xi32>
      %add3A_662 = arith.addi %add3A_399, %add3A_661 : vector<16xi32>
      %gather3A_663 = tpu.vector_load_idx %arg11[%add3A_662] : memref<48000xf32, #tpu.memory_space<vmem>>[vector<16xi32>], vector<16xf32>,
      %mul3A_664 = arith.mulf %gather3A_655, %gather3A_659 : vector<16xf32>
      %add3A_665 = arith.addf %gather3A_655, %gather3A_659 : vector<16xf32>
      %mul3A_666 = arith.mulf %gather3A_663, %add3A_665 : vector<16xf32>
      %add3A_667 = arith.addf %mul3A_664, %mul3A_666 : vector<16xf32>
      %add3A_668 = arith.addf %add3A_600, %add3A_667 : vector<16xf32>
      %add3A_669 = arith.addf %add3A_617, %add3A_634 : vector<16xf32>
      %add3A_670 = arith.addf %add3A_651, %add3A_668 : vector<16xf32>
      %add3A_671 = arith.addf %add3A_669, %add3A_670 : vector<16xf32>
      %neg3A_672 = arith.constant 0.000000e+00 : f32
      %neg3A_673 = vector.broadcast %neg3A_672 : f32 to vector<16xf32>
      %neg3A_674 = arith.subf %neg3A_673, %add3A_671 : vector<16xf32>
      %exp3A_675 = math.exp %neg3A_674 : vector<16xf32>
      %add3A_676 = arith.constant 1.000000e+00 : f32
      %add3A_677 = vector.broadcast %add3A_676 : f32 to vector<16xf32>
      %add3A_678 = arith.addf %add3A_677, %exp3A_675 : vector<16xf32>
      %div3A_679 = arith.constant 1.000000e+00 : f32
      %div3A_680 = vector.broadcast %div3A_679 : f32 to vector<16xf32>
      %div3A_681 = arith.divf %div3A_680, %add3A_678 : vector<16xf32>
      %swap3A_682 = arith.index_cast %add3A_356 : i32 to index
      %swap3A_683 = tpu.vector_load %arg13[%swap3A_682] {strides = array<i32>} : memref<512xf32, #tpu.memory_space<vmem>>, vector<16xf32>,
      tpu.vector_store %arg13[%swap3A_682], %div3A_681 {strides = array<i32>} : memref<512xf32, #tpu.memory_space<vmem>>, vector<16xf32>,
      %add3A_684 = arith.constant 32 : i32
      %add3A_685 = arith.addi %mul3A_32, %add3A_684 : i32
      %get3A_686 = arith.index_cast %add3A_685 : i32 to index
      %get3A_687 = tpu.vector_load %arg8[%get3A_686] {strides = array<i32>} : memref<512xi32, #tpu.memory_space<vmem>>, vector<16xi32>,
      %and3A_688 = arith.constant 1023 : i32
      %and3A_689 = vector.broadcast %and3A_688 : i32 to vector<16xi32>
      %and3A_690 = arith.andi %get3A_687, %and3A_689 : vector<16xi32>
      %shift_right_arithmetic3A_691 = arith.constant 10 : i32
      %shift_right_arithmetic3A_692 = vector.broadcast %shift_right_arithmetic3A_691 : i32 to vector<16xi32>
      %shift_right_arithmetic3A_693 = arith.shrsi %get3A_687, %shift_right_arithmetic3A_692 : vector<16xi32>
      %and3A_694 = arith.constant 1023 : i32
      %and3A_695 = vector.broadcast %and3A_694 : i32 to vector<16xi32>
      %and3A_696 = arith.andi %shift_right_arithmetic3A_693, %and3A_695 : vector<16xi32>
      %shift_right_arithmetic3A_697 = arith.constant 20 : i32
      %shift_right_arithmetic3A_698 = vector.broadcast %shift_right_arithmetic3A_697 : i32 to vector<16xi32>
      %shift_right_arithmetic3A_699 = arith.shrsi %get3A_687, %shift_right_arithmetic3A_698 : vector<16xi32>
      %get3A_700 = arith.index_cast %add3A_685 : i32 to index
      %get3A_701 = tpu.vector_load %arg9[%get3A_700] {strides = array<i32>} : memref<512xf32, #tpu.memory_space<vmem>>, vector<16xf32>,
      %get3A_702 = arith.index_cast %add3A_685 : i32 to index
      %get3A_703 = tpu.vector_load %arg10[%get3A_702] {strides = array<i32>} : memref<512xf32, #tpu.memory_space<vmem>>, vector<16xf32>,
      %add3A_704 = arith.constant 10 : i32
      %add3A_705 = vector.broadcast %add3A_704 : i32 to vector<16xi32>
      %add3A_706 = arith.addi %and3A_690, %add3A_705 : vector<16xi32>
      %gather3A_707 = tpu.vector_load_idx %arg12[%add3A_706] : memref<3072xf32, #tpu.memory_space<vmem>>[vector<16xi32>], vector<16xf32>,
      %add3A_708 = arith.constant 1010 : i32
      %add3A_709 = vector.broadcast %add3A_708 : i32 to vector<16xi32>
      %add3A_710 = arith.addi %and3A_696, %add3A_709 : vector<16xi32>
      %gather3A_711 = tpu.vector_load_idx %arg12[%add3A_710] : memref<3072xf32, #tpu.memory_space<vmem>>[vector<16xi32>], vector<16xf32>,
      %add3A_712 = arith.addf %gather3A_707, %gather3A_711 : vector<16xf32>
      %add3A_713 = arith.constant 2010 : i32
      %add3A_714 = vector.broadcast %add3A_713 : i32 to vector<16xi32>
      %add3A_715 = arith.addi %shift_right_arithmetic3A_699, %add3A_714 : vector<16xi32>
      %gather3A_716 = tpu.vector_load_idx %arg12[%add3A_715] : memref<3072xf32, #tpu.memory_space<vmem>>[vector<16xi32>], vector<16xf32>,
      %add3A_717 = arith.addf %add3A_712, %gather3A_716 : vector<16xf32>
      %mul3A_718 = arith.mulf %get3A_701, %gather3A : vector<16xf32>
      %mul3A_719 = arith.mulf %get3A_703, %gather3A_20 : vector<16xf32>
      %add3A_720 = arith.addf %mul3A_718, %mul3A_719 : vector<16xf32>
      %add3A_721 = arith.addf %add3A_720, %gather3A_24 : vector<16xf32>
      %add3A_722 = arith.addf %add3A_721, %add3A_717 : vector<16xf32>
      %add3A_723 = arith.constant 1000 : i32
      %add3A_724 = vector.broadcast %add3A_723 : i32 to vector<16xi32>
      %add3A_725 = arith.addi %and3A_696, %add3A_724 : vector<16xi32>
      %add3A_726 = arith.constant 2000 : i32
      %add3A_727 = vector.broadcast %add3A_726 : i32 to vector<16xi32>
      %add3A_728 = arith.addi %shift_right_arithmetic3A_699, %add3A_727 : vector<16xi32>
      %add3A_729 = arith.constant 0 : i32
      %add3A_730 = vector.broadcast %add3A_729 : i32 to vector<16xi32>
      %add3A_731 = arith.addi %and3A_690, %add3A_730 : vector<16xi32>
      %gather3A_732 = tpu.vector_load_idx %arg11[%add3A_731] : memref<48000xf32, #tpu.memory_space<vmem>>[vector<16xi32>], vector<16xf32>,
      %add3A_733 = arith.constant 0 : i32
      %add3A_734 = vector.broadcast %add3A_733 : i32 to vector<16xi32>
      %add3A_735 = arith.addi %add3A_725, %add3A_734 : vector<16xi32>
      %gather3A_736 = tpu.vector_load_idx %arg11[%add3A_735] : memref<48000xf32, #tpu.memory_space<vmem>>[vector<16xi32>], vector<16xf32>,
      %add3A_737 = arith.constant 0 : i32
      %add3A_738 = vector.broadcast %add3A_737 : i32 to vector<16xi32>
      %add3A_739 = arith.addi %add3A_728, %add3A_738 : vector<16xi32>
      %gather3A_740 = tpu.vector_load_idx %arg11[%add3A_739] : memref<48000xf32, #tpu.memory_space<vmem>>[vector<16xi32>], vector<16xf32>,
      %mul3A_741 = arith.mulf %gather3A_732, %gather3A_736 : vector<16xf32>
      %add3A_742 = arith.addf %gather3A_732, %gather3A_736 : vector<16xf32>
      %mul3A_743 = arith.mulf %gather3A_740, %add3A_742 : vector<16xf32>
      %add3A_744 = arith.addf %mul3A_741, %mul3A_743 : vector<16xf32>
      %add3A_745 = arith.addf %add3A_722, %add3A_744 : vector<16xf32>
      %add3A_746 = arith.constant 3000 : i32
      %add3A_747 = vector.broadcast %add3A_746 : i32 to vector<16xi32>
      %add3A_748 = arith.addi %and3A_690, %add3A_747 : vector<16xi32>
      %gather3A_749 = tpu.vector_load_idx %arg11[%add3A_748] : memref<48000xf32, #tpu.memory_space<vmem>>[vector<16xi32>], vector<16xf32>,
      %add3A_750 = arith.constant 3000 : i32
      %add3A_751 = vector.broadcast %add3A_750 : i32 to vector<16xi32>
      %add3A_752 = arith.addi %add3A_725, %add3A_751 : vector<16xi32>
      %gather3A_753 = tpu.vector_load_idx %arg11[%add3A_752] : memref<48000xf32, #tpu.memory_space<vmem>>[vector<16xi32>], vector<16xf32>,
      %add3A_754 = arith.constant 3000 : i32
      %add3A_755 = vector.broadcast %add3A_754 : i32 to vector<16xi32>
      %add3A_756 = arith.addi %add3A_728, %add3A_755 : vector<16xi32>
      %gather3A_757 = tpu.vector_load_idx %arg11[%add3A_756] : memref<48000xf32, #tpu.memory_space<vmem>>[vector<16xi32>], vector<16xf32>,
      %mul3A_758 = arith.mulf %gather3A_749, %gather3A_753 : vector<16xf32>
      %add3A_759 = arith.addf %gather3A_749, %gather3A_753 : vector<16xf32>
      %mul3A_760 = arith.mulf %gather3A_757, %add3A_759 : vector<16xf32>
      %add3A_761 = arith.addf %mul3A_758, %mul3A_760 : vector<16xf32>
      %add3A_762 = arith.constant 6000 : i32
      %add3A_763 = vector.broadcast %add3A_762 : i32 to vector<16xi32>
      %add3A_764 = arith.addi %and3A_690, %add3A_763 : vector<16xi32>
      %gather3A_765 = tpu.vector_load_idx %arg11[%add3A_764] : memref<48000xf32, #tpu.memory_space<vmem>>[vector<16xi32>], vector<16xf32>,
      %add3A_766 = arith.constant 6000 : i32
      %add3A_767 = vector.broadcast %add3A_766 : i32 to vector<16xi32>
      %add3A_768 = arith.addi %add3A_725, %add3A_767 : vector<16xi32>
      %gather3A_769 = tpu.vector_load_idx %arg11[%add3A_768] : memref<48000xf32, #tpu.memory_space<vmem>>[vector<16xi32>], vector<16xf32>,
      %add3A_770 = arith.constant 6000 : i32
      %add3A_771 = vector.broadcast %add3A_770 : i32 to vector<16xi32>
      %add3A_772 = arith.addi %add3A_728, %add3A_771 : vector<16xi32>
      %gather3A_773 = tpu.vector_load_idx %arg11[%add3A_772] : memref<48000xf32, #tpu.memory_space<vmem>>[vector<16xi32>], vector<16xf32>,
      %mul3A_774 = arith.mulf %gather3A_765, %gather3A_769 : vector<16xf32>
      %add3A_775 = arith.addf %gather3A_765, %gather3A_769 : vector<16xf32>
      %mul3A_776 = arith.mulf %gather3A_773, %add3A_775 : vector<16xf32>
      %add3A_777 = arith.addf %mul3A_774, %mul3A_776 : vector<16xf32>
      %add3A_778 = arith.constant 9000 : i32
      %add3A_779 = vector.broadcast %add3A_778 : i32 to vector<16xi32>
      %add3A_780 = arith.addi %and3A_690, %add3A_779 : vector<16xi32>
      %gather3A_781 = tpu.vector_load_idx %arg11[%add3A_780] : memref<48000xf32, #tpu.memory_space<vmem>>[vector<16xi32>], vector<16xf32>,
      %add3A_782 = arith.constant 9000 : i32
      %add3A_783 = vector.broadcast %add3A_782 : i32 to vector<16xi32>
      %add3A_784 = arith.addi %add3A_725, %add3A_783 : vector<16xi32>
      %gather3A_785 = tpu.vector_load_idx %arg11[%add3A_784] : memref<48000xf32, #tpu.memory_space<vmem>>[vector<16xi32>], vector<16xf32>,
      %add3A_786 = arith.constant 9000 : i32
      %add3A_787 = vector.broadcast %add3A_786 : i32 to vector<16xi32>
      %add3A_788 = arith.addi %add3A_728, %add3A_787 : vector<16xi32>
      %gather3A_789 = tpu.vector_load_idx %arg11[%add3A_788] : memref<48000xf32, #tpu.memory_space<vmem>>[vector<16xi32>], vector<16xf32>,
      %mul3A_790 = arith.mulf %gather3A_781, %gather3A_785 : vector<16xf32>
      %add3A_791 = arith.addf %gather3A_781, %gather3A_785 : vector<16xf32>
      %mul3A_792 = arith.mulf %gather3A_789, %add3A_791 : vector<16xf32>
      %add3A_793 = arith.addf %mul3A_790, %mul3A_792 : vector<16xf32>
      %add3A_794 = arith.constant 12000 : i32
      %add3A_795 = vector.broadcast %add3A_794 : i32 to vector<16xi32>
      %add3A_796 = arith.addi %and3A_690, %add3A_795 : vector<16xi32>
      %gather3A_797 = tpu.vector_load_idx %arg11[%add3A_796] : memref<48000xf32, #tpu.memory_space<vmem>>[vector<16xi32>], vector<16xf32>,
      %add3A_798 = arith.constant 12000 : i32
      %add3A_799 = vector.broadcast %add3A_798 : i32 to vector<16xi32>
      %add3A_800 = arith.addi %add3A_725, %add3A_799 : vector<16xi32>
      %gather3A_801 = tpu.vector_load_idx %arg11[%add3A_800] : memref<48000xf32, #tpu.memory_space<vmem>>[vector<16xi32>], vector<16xf32>,
      %add3A_802 = arith.constant 12000 : i32
      %add3A_803 = vector.broadcast %add3A_802 : i32 to vector<16xi32>
      %add3A_804 = arith.addi %add3A_728, %add3A_803 : vector<16xi32>
      %gather3A_805 = tpu.vector_load_idx %arg11[%add3A_804] : memref<48000xf32, #tpu.memory_space<vmem>>[vector<16xi32>], vector<16xf32>,
      %mul3A_806 = arith.mulf %gather3A_797, %gather3A_801 : vector<16xf32>
      %add3A_807 = arith.addf %gather3A_797, %gather3A_801 : vector<16xf32>
      %mul3A_808 = arith.mulf %gather3A_805, %add3A_807 : vector<16xf32>
      %add3A_809 = arith.addf %mul3A_806, %mul3A_808 : vector<16xf32>
      %add3A_810 = arith.addf %add3A_745, %add3A_809 : vector<16xf32>
      %add3A_811 = arith.constant 15000 : i32
      %add3A_812 = vector.broadcast %add3A_811 : i32 to vector<16xi32>
      %add3A_813 = arith.addi %and3A_690, %add3A_812 : vector<16xi32>
      %gather3A_814 = tpu.vector_load_idx %arg11[%add3A_813] : memref<48000xf32, #tpu.memory_space<vmem>>[vector<16xi32>], vector<16xf32>,
      %add3A_815 = arith.constant 15000 : i32
      %add3A_816 = vector.broadcast %add3A_815 : i32 to vector<16xi32>
      %add3A_817 = arith.addi %add3A_725, %add3A_816 : vector<16xi32>
      %gather3A_818 = tpu.vector_load_idx %arg11[%add3A_817] : memref<48000xf32, #tpu.memory_space<vmem>>[vector<16xi32>], vector<16xf32>,
      %add3A_819 = arith.constant 15000 : i32
      %add3A_820 = vector.broadcast %add3A_819 : i32 to vector<16xi32>
      %add3A_821 = arith.addi %add3A_728, %add3A_820 : vector<16xi32>
      %gather3A_822 = tpu.vector_load_idx %arg11[%add3A_821] : memref<48000xf32, #tpu.memory_space<vmem>>[vector<16xi32>], vector<16xf32>,
      %mul3A_823 = arith.mulf %gather3A_814, %gather3A_818 : vector<16xf32>
      %add3A_824 = arith.addf %gather3A_814, %gather3A_818 : vector<16xf32>
      %mul3A_825 = arith.mulf %gather3A_822, %add3A_824 : vector<16xf32>
      %add3A_826 = arith.addf %mul3A_823, %mul3A_825 : vector<16xf32>
      %add3A_827 = arith.addf %add3A_761, %add3A_826 : vector<16xf32>
      %add3A_828 = arith.constant 18000 : i32
      %add3A_829 = vector.broadcast %add3A_828 : i32 to vector<16xi32>
      %add3A_830 = arith.addi %and3A_690, %add3A_829 : vector<16xi32>
      %gather3A_831 = tpu.vector_load_idx %arg11[%add3A_830] : memref<48000xf32, #tpu.memory_space<vmem>>[vector<16xi32>], vector<16xf32>,
      %add3A_832 = arith.constant 18000 : i32
      %add3A_833 = vector.broadcast %add3A_832 : i32 to vector<16xi32>
      %add3A_834 = arith.addi %add3A_725, %add3A_833 : vector<16xi32>
      %gather3A_835 = tpu.vector_load_idx %arg11[%add3A_834] : memref<48000xf32, #tpu.memory_space<vmem>>[vector<16xi32>], vector<16xf32>,
      %add3A_836 = arith.constant 18000 : i32
      %add3A_837 = vector.broadcast %add3A_836 : i32 to vector<16xi32>
      %add3A_838 = arith.addi %add3A_728, %add3A_837 : vector<16xi32>
      %gather3A_839 = tpu.vector_load_idx %arg11[%add3A_838] : memref<48000xf32, #tpu.memory_space<vmem>>[vector<16xi32>], vector<16xf32>,
      %mul3A_840 = arith.mulf %gather3A_831, %gather3A_835 : vector<16xf32>
      %add3A_841 = arith.addf %gather3A_831, %gather3A_835 : vector<16xf32>
      %mul3A_842 = arith.mulf %gather3A_839, %add3A_841 : vector<16xf32>
      %add3A_843 = arith.addf %mul3A_840, %mul3A_842 : vector<16xf32>
      %add3A_844 = arith.addf %add3A_777, %add3A_843 : vector<16xf32>
      %add3A_845 = arith.constant 21000 : i32
      %add3A_846 = vector.broadcast %add3A_845 : i32 to vector<16xi32>
      %add3A_847 = arith.addi %and3A_690, %add3A_846 : vector<16xi32>
      %gather3A_848 = tpu.vector_load_idx %arg11[%add3A_847] : memref<48000xf32, #tpu.memory_space<vmem>>[vector<16xi32>], vector<16xf32>,
      %add3A_849 = arith.constant 21000 : i32
      %add3A_850 = vector.broadcast %add3A_849 : i32 to vector<16xi32>
      %add3A_851 = arith.addi %add3A_725, %add3A_850 : vector<16xi32>
      %gather3A_852 = tpu.vector_load_idx %arg11[%add3A_851] : memref<48000xf32, #tpu.memory_space<vmem>>[vector<16xi32>], vector<16xf32>,
      %add3A_853 = arith.constant 21000 : i32
      %add3A_854 = vector.broadcast %add3A_853 : i32 to vector<16xi32>
      %add3A_855 = arith.addi %add3A_728, %add3A_854 : vector<16xi32>
      %gather3A_856 = tpu.vector_load_idx %arg11[%add3A_855] : memref<48000xf32, #tpu.memory_space<vmem>>[vector<16xi32>], vector<16xf32>,
      %mul3A_857 = arith.mulf %gather3A_848, %gather3A_852 : vector<16xf32>
      %add3A_858 = arith.addf %gather3A_848, %gather3A_852 : vector<16xf32>
      %mul3A_859 = arith.mulf %gather3A_856, %add3A_858 : vector<16xf32>
      %add3A_860 = arith.addf %mul3A_857, %mul3A_859 : vector<16xf32>
      %add3A_861 = arith.addf %add3A_793, %add3A_860 : vector<16xf32>
      %add3A_862 = arith.constant 24000 : i32
      %add3A_863 = vector.broadcast %add3A_862 : i32 to vector<16xi32>
      %add3A_864 = arith.addi %and3A_690, %add3A_863 : vector<16xi32>
      %gather3A_865 = tpu.vector_load_idx %arg11[%add3A_864] : memref<48000xf32, #tpu.memory_space<vmem>>[vector<16xi32>], vector<16xf32>,
      %add3A_866 = arith.constant 24000 : i32
      %add3A_867 = vector.broadcast %add3A_866 : i32 to vector<16xi32>
      %add3A_868 = arith.addi %add3A_725, %add3A_867 : vector<16xi32>
      %gather3A_869 = tpu.vector_load_idx %arg11[%add3A_868] : memref<48000xf32, #tpu.memory_space<vmem>>[vector<16xi32>], vector<16xf32>,
      %add3A_870 = arith.constant 24000 : i32
      %add3A_871 = vector.broadcast %add3A_870 : i32 to vector<16xi32>
      %add3A_872 = arith.addi %add3A_728, %add3A_871 : vector<16xi32>
      %gather3A_873 = tpu.vector_load_idx %arg11[%add3A_872] : memref<48000xf32, #tpu.memory_space<vmem>>[vector<16xi32>], vector<16xf32>,
      %mul3A_874 = arith.mulf %gather3A_865, %gather3A_869 : vector<16xf32>
      %add3A_875 = arith.addf %gather3A_865, %gather3A_869 : vector<16xf32>
      %mul3A_876 = arith.mulf %gather3A_873, %add3A_875 : vector<16xf32>
      %add3A_877 = arith.addf %mul3A_874, %mul3A_876 : vector<16xf32>
      %add3A_878 = arith.addf %add3A_810, %add3A_877 : vector<16xf32>
      %add3A_879 = arith.constant 27000 : i32
      %add3A_880 = vector.broadcast %add3A_879 : i32 to vector<16xi32>
      %add3A_881 = arith.addi %and3A_690, %add3A_880 : vector<16xi32>
      %gather3A_882 = tpu.vector_load_idx %arg11[%add3A_881] : memref<48000xf32, #tpu.memory_space<vmem>>[vector<16xi32>], vector<16xf32>,
      %add3A_883 = arith.constant 27000 : i32
      %add3A_884 = vector.broadcast %add3A_883 : i32 to vector<16xi32>
      %add3A_885 = arith.addi %add3A_725, %add3A_884 : vector<16xi32>
      %gather3A_886 = tpu.vector_load_idx %arg11[%add3A_885] : memref<48000xf32, #tpu.memory_space<vmem>>[vector<16xi32>], vector<16xf32>,
      %add3A_887 = arith.constant 27000 : i32
      %add3A_888 = vector.broadcast %add3A_887 : i32 to vector<16xi32>
      %add3A_889 = arith.addi %add3A_728, %add3A_888 : vector<16xi32>
      %gather3A_890 = tpu.vector_load_idx %arg11[%add3A_889] : memref<48000xf32, #tpu.memory_space<vmem>>[vector<16xi32>], vector<16xf32>,
      %mul3A_891 = arith.mulf %gather3A_882, %gather3A_886 : vector<16xf32>
      %add3A_892 = arith.addf %gather3A_882, %gather3A_886 : vector<16xf32>
      %mul3A_893 = arith.mulf %gather3A_890, %add3A_892 : vector<16xf32>
      %add3A_894 = arith.addf %mul3A_891, %mul3A_893 : vector<16xf32>
      %add3A_895 = arith.addf %add3A_827, %add3A_894 : vector<16xf32>
      %add3A_896 = arith.constant 30000 : i32
      %add3A_897 = vector.broadcast %add3A_896 : i32 to vector<16xi32>
      %add3A_898 = arith.addi %and3A_690, %add3A_897 : vector<16xi32>
      %gather3A_899 = tpu.vector_load_idx %arg11[%add3A_898] : memref<48000xf32, #tpu.memory_space<vmem>>[vector<16xi32>], vector<16xf32>,
      %add3A_900 = arith.constant 30000 : i32
      %add3A_901 = vector.broadcast %add3A_900 : i32 to vector<16xi32>
      %add3A_902 = arith.addi %add3A_725, %add3A_901 : vector<16xi32>
      %gather3A_903 = tpu.vector_load_idx %arg11[%add3A_902] : memref<48000xf32, #tpu.memory_space<vmem>>[vector<16xi32>], vector<16xf32>,
      %add3A_904 = arith.constant 30000 : i32
      %add3A_905 = vector.broadcast %add3A_904 : i32 to vector<16xi32>
      %add3A_906 = arith.addi %add3A_728, %add3A_905 : vector<16xi32>
      %gather3A_907 = tpu.vector_load_idx %arg11[%add3A_906] : memref<48000xf32, #tpu.memory_space<vmem>>[vector<16xi32>], vector<16xf32>,
      %mul3A_908 = arith.mulf %gather3A_899, %gather3A_903 : vector<16xf32>
      %add3A_909 = arith.addf %gather3A_899, %gather3A_903 : vector<16xf32>
      %mul3A_910 = arith.mulf %gather3A_907, %add3A_909 : vector<16xf32>
      %add3A_911 = arith.addf %mul3A_908, %mul3A_910 : vector<16xf32>
      %add3A_912 = arith.addf %add3A_844, %add3A_911 : vector<16xf32>
      %add3A_913 = arith.constant 33000 : i32
      %add3A_914 = vector.broadcast %add3A_913 : i32 to vector<16xi32>
      %add3A_915 = arith.addi %and3A_690, %add3A_914 : vector<16xi32>
      %gather3A_916 = tpu.vector_load_idx %arg11[%add3A_915] : memref<48000xf32, #tpu.memory_space<vmem>>[vector<16xi32>], vector<16xf32>,
      %add3A_917 = arith.constant 33000 : i32
      %add3A_918 = vector.broadcast %add3A_917 : i32 to vector<16xi32>
      %add3A_919 = arith.addi %add3A_725, %add3A_918 : vector<16xi32>
      %gather3A_920 = tpu.vector_load_idx %arg11[%add3A_919] : memref<48000xf32, #tpu.memory_space<vmem>>[vector<16xi32>], vector<16xf32>,
      %add3A_921 = arith.constant 33000 : i32
      %add3A_922 = vector.broadcast %add3A_921 : i32 to vector<16xi32>
      %add3A_923 = arith.addi %add3A_728, %add3A_922 : vector<16xi32>
      %gather3A_924 = tpu.vector_load_idx %arg11[%add3A_923] : memref<48000xf32, #tpu.memory_space<vmem>>[vector<16xi32>], vector<16xf32>,
      %mul3A_925 = arith.mulf %gather3A_916, %gather3A_920 : vector<16xf32>
      %add3A_926 = arith.addf %gather3A_916, %gather3A_920 : vector<16xf32>
      %mul3A_927 = arith.mulf %gather3A_924, %add3A_926 : vector<16xf32>
      %add3A_928 = arith.addf %mul3A_925, %mul3A_927 : vector<16xf32>
      %add3A_929 = arith.addf %add3A_861, %add3A_928 : vector<16xf32>
      %add3A_930 = arith.constant 36000 : i32
      %add3A_931 = vector.broadcast %add3A_930 : i32 to vector<16xi32>
      %add3A_932 = arith.addi %and3A_690, %add3A_931 : vector<16xi32>
      %gather3A_933 = tpu.vector_load_idx %arg11[%add3A_932] : memref<48000xf32, #tpu.memory_space<vmem>>[vector<16xi32>], vector<16xf32>,
      %add3A_934 = arith.constant 36000 : i32
      %add3A_935 = vector.broadcast %add3A_934 : i32 to vector<16xi32>
      %add3A_936 = arith.addi %add3A_725, %add3A_935 : vector<16xi32>
      %gather3A_937 = tpu.vector_load_idx %arg11[%add3A_936] : memref<48000xf32, #tpu.memory_space<vmem>>[vector<16xi32>], vector<16xf32>,
      %add3A_938 = arith.constant 36000 : i32
      %add3A_939 = vector.broadcast %add3A_938 : i32 to vector<16xi32>
      %add3A_940 = arith.addi %add3A_728, %add3A_939 : vector<16xi32>
      %gather3A_941 = tpu.vector_load_idx %arg11[%add3A_940] : memref<48000xf32, #tpu.memory_space<vmem>>[vector<16xi32>], vector<16xf32>,
      %mul3A_942 = arith.mulf %gather3A_933, %gather3A_937 : vector<16xf32>
      %add3A_943 = arith.addf %gather3A_933, %gather3A_937 : vector<16xf32>
      %mul3A_944 = arith.mulf %gather3A_941, %add3A_943 : vector<16xf32>
      %add3A_945 = arith.addf %mul3A_942, %mul3A_944 : vector<16xf32>
      %add3A_946 = arith.addf %add3A_878, %add3A_945 : vector<16xf32>
      %add3A_947 = arith.constant 39000 : i32
      %add3A_948 = vector.broadcast %add3A_947 : i32 to vector<16xi32>
      %add3A_949 = arith.addi %and3A_690, %add3A_948 : vector<16xi32>
      %gather3A_950 = tpu.vector_load_idx %arg11[%add3A_949] : memref<48000xf32, #tpu.memory_space<vmem>>[vector<16xi32>], vector<16xf32>,
      %add3A_951 = arith.constant 39000 : i32
      %add3A_952 = vector.broadcast %add3A_951 : i32 to vector<16xi32>
      %add3A_953 = arith.addi %add3A_725, %add3A_952 : vector<16xi32>
      %gather3A_954 = tpu.vector_load_idx %arg11[%add3A_953] : memref<48000xf32, #tpu.memory_space<vmem>>[vector<16xi32>], vector<16xf32>,
      %add3A_955 = arith.constant 39000 : i32
      %add3A_956 = vector.broadcast %add3A_955 : i32 to vector<16xi32>
      %add3A_957 = arith.addi %add3A_728, %add3A_956 : vector<16xi32>
      %gather3A_958 = tpu.vector_load_idx %arg11[%add3A_957] : memref<48000xf32, #tpu.memory_space<vmem>>[vector<16xi32>], vector<16xf32>,
      %mul3A_959 = arith.mulf %gather3A_950, %gather3A_954 : vector<16xf32>
      %add3A_960 = arith.addf %gather3A_950, %gather3A_954 : vector<16xf32>
      %mul3A_961 = arith.mulf %gather3A_958, %add3A_960 : vector<16xf32>
      %add3A_962 = arith.addf %mul3A_959, %mul3A_961 : vector<16xf32>
      %add3A_963 = arith.addf %add3A_895, %add3A_962 : vector<16xf32>
      %add3A_964 = arith.constant 42000 : i32
      %add3A_965 = vector.broadcast %add3A_964 : i32 to vector<16xi32>
      %add3A_966 = arith.addi %and3A_690, %add3A_965 : vector<16xi32>
      %gather3A_967 = tpu.vector_load_idx %arg11[%add3A_966] : memref<48000xf32, #tpu.memory_space<vmem>>[vector<16xi32>], vector<16xf32>,
      %add3A_968 = arith.constant 42000 : i32
      %add3A_969 = vector.broadcast %add3A_968 : i32 to vector<16xi32>
      %add3A_970 = arith.addi %add3A_725, %add3A_969 : vector<16xi32>
      %gather3A_971 = tpu.vector_load_idx %arg11[%add3A_970] : memref<48000xf32, #tpu.memory_space<vmem>>[vector<16xi32>], vector<16xf32>,
      %add3A_972 = arith.constant 42000 : i32
      %add3A_973 = vector.broadcast %add3A_972 : i32 to vector<16xi32>
      %add3A_974 = arith.addi %add3A_728, %add3A_973 : vector<16xi32>
      %gather3A_975 = tpu.vector_load_idx %arg11[%add3A_974] : memref<48000xf32, #tpu.memory_space<vmem>>[vector<16xi32>], vector<16xf32>,
      %mul3A_976 = arith.mulf %gather3A_967, %gather3A_971 : vector<16xf32>
      %add3A_977 = arith.addf %gather3A_967, %gather3A_971 : vector<16xf32>
      %mul3A_978 = arith.mulf %gather3A_975, %add3A_977 : vector<16xf32>
      %add3A_979 = arith.addf %mul3A_976, %mul3A_978 : vector<16xf32>
      %add3A_980 = arith.addf %add3A_912, %add3A_979 : vector<16xf32>
      %add3A_981 = arith.constant 45000 : i32
      %add3A_982 = vector.broadcast %add3A_981 : i32 to vector<16xi32>
      %add3A_983 = arith.addi %and3A_690, %add3A_982 : vector<16xi32>
      %gather3A_984 = tpu.vector_load_idx %arg11[%add3A_983] : memref<48000xf32, #tpu.memory_space<vmem>>[vector<16xi32>], vector<16xf32>,
      %add3A_985 = arith.constant 45000 : i32
      %add3A_986 = vector.broadcast %add3A_985 : i32 to vector<16xi32>
      %add3A_987 = arith.addi %add3A_725, %add3A_986 : vector<16xi32>
      %gather3A_988 = tpu.vector_load_idx %arg11[%add3A_987] : memref<48000xf32, #tpu.memory_space<vmem>>[vector<16xi32>], vector<16xf32>,
      %add3A_989 = arith.constant 45000 : i32
      %add3A_990 = vector.broadcast %add3A_989 : i32 to vector<16xi32>
      %add3A_991 = arith.addi %add3A_728, %add3A_990 : vector<16xi32>
      %gather3A_992 = tpu.vector_load_idx %arg11[%add3A_991] : memref<48000xf32, #tpu.memory_space<vmem>>[vector<16xi32>], vector<16xf32>,
      %mul3A_993 = arith.mulf %gather3A_984, %gather3A_988 : vector<16xf32>
      %add3A_994 = arith.addf %gather3A_984, %gather3A_988 : vector<16xf32>
      %mul3A_995 = arith.mulf %gather3A_992, %add3A_994 : vector<16xf32>
      %add3A_996 = arith.addf %mul3A_993, %mul3A_995 : vector<16xf32>
      %add3A_997 = arith.addf %add3A_929, %add3A_996 : vector<16xf32>
      %add3A_998 = arith.addf %add3A_946, %add3A_963 : vector<16xf32>
      %add3A_999 = arith.addf %add3A_980, %add3A_997 : vector<16xf32>
      %add3A_1000 = arith.addf %add3A_998, %add3A_999 : vector<16xf32>
      %neg3A_1001 = arith.constant 0.000000e+00 : f32
      %neg3A_1002 = vector.broadcast %neg3A_1001 : f32 to vector<16xf32>
      %neg3A_1003 = arith.subf %neg3A_1002, %add3A_1000 : vector<16xf32>
      %exp3A_1004 = math.exp %neg3A_1003 : vector<16xf32>
      %add3A_1005 = arith.constant 1.000000e+00 : f32
      %add3A_1006 = vector.broadcast %add3A_1005 : f32 to vector<16xf32>
      %add3A_1007 = arith.addf %add3A_1006, %exp3A_1004 : vector<16xf32>
      %div3A_1008 = arith.constant 1.000000e+00 : f32
      %div3A_1009 = vector.broadcast %div3A_1008 : f32 to vector<16xf32>
      %div3A_1010 = arith.divf %div3A_1009, %add3A_1007 : vector<16xf32>
      %swap3A_1011 = arith.index_cast %add3A_685 : i32 to index
      %swap3A_1012 = tpu.vector_load %arg13[%swap3A_1011] {strides = array<i32>} : memref<512xf32, #tpu.memory_space<vmem>>, vector<16xf32>,
      tpu.vector_store %arg13[%swap3A_1011], %div3A_1010 {strides = array<i32>} : memref<512xf32, #tpu.memory_space<vmem>>, vector<16xf32>,
      %add3A_1013 = arith.constant 48 : i32
      %add3A_1014 = arith.addi %mul3A_32, %add3A_1013 : i32
      %get3A_1015 = arith.index_cast %add3A_1014 : i32 to index
      %get3A_1016 = tpu.vector_load %arg8[%get3A_1015] {strides = array<i32>} : memref<512xi32, #tpu.memory_space<vmem>>, vector<16xi32>,
      %and3A_1017 = arith.constant 1023 : i32
      %and3A_1018 = vector.broadcast %and3A_1017 : i32 to vector<16xi32>
      %and3A_1019 = arith.andi %get3A_1016, %and3A_1018 : vector<16xi32>
      %shift_right_arithmetic3A_1020 = arith.constant 10 : i32
      %shift_right_arithmetic3A_1021 = vector.broadcast %shift_right_arithmetic3A_1020 : i32 to vector<16xi32>
      %shift_right_arithmetic3A_1022 = arith.shrsi %get3A_1016, %shift_right_arithmetic3A_1021 : vector<16xi32>
      %and3A_1023 = arith.constant 1023 : i32
      %and3A_1024 = vector.broadcast %and3A_1023 : i32 to vector<16xi32>
      %and3A_1025 = arith.andi %shift_right_arithmetic3A_1022, %and3A_1024 : vector<16xi32>
      %shift_right_arithmetic3A_1026 = arith.constant 20 : i32
      %shift_right_arithmetic3A_1027 = vector.broadcast %shift_right_arithmetic3A_1026 : i32 to vector<16xi32>
      %shift_right_arithmetic3A_1028 = arith.shrsi %get3A_1016, %shift_right_arithmetic3A_1027 : vector<16xi32>
      %get3A_1029 = arith.index_cast %add3A_1014 : i32 to index
      %get3A_1030 = tpu.vector_load %arg9[%get3A_1029] {strides = array<i32>} : memref<512xf32, #tpu.memory_space<vmem>>, vector<16xf32>,
      %get3A_1031 = arith.index_cast %add3A_1014 : i32 to index
      %get3A_1032 = tpu.vector_load %arg10[%get3A_1031] {strides = array<i32>} : memref<512xf32, #tpu.memory_space<vmem>>, vector<16xf32>,
      %add3A_1033 = arith.constant 10 : i32
      %add3A_1034 = vector.broadcast %add3A_1033 : i32 to vector<16xi32>
      %add3A_1035 = arith.addi %and3A_1019, %add3A_1034 : vector<16xi32>
      %gather3A_1036 = tpu.vector_load_idx %arg12[%add3A_1035] : memref<3072xf32, #tpu.memory_space<vmem>>[vector<16xi32>], vector<16xf32>,
      %add3A_1037 = arith.constant 1010 : i32
      %add3A_1038 = vector.broadcast %add3A_1037 : i32 to vector<16xi32>
      %add3A_1039 = arith.addi %and3A_1025, %add3A_1038 : vector<16xi32>
      %gather3A_1040 = tpu.vector_load_idx %arg12[%add3A_1039] : memref<3072xf32, #tpu.memory_space<vmem>>[vector<16xi32>], vector<16xf32>,
      %add3A_1041 = arith.addf %gather3A_1036, %gather3A_1040 : vector<16xf32>
      %add3A_1042 = arith.constant 2010 : i32
      %add3A_1043 = vector.broadcast %add3A_1042 : i32 to vector<16xi32>
      %add3A_1044 = arith.addi %shift_right_arithmetic3A_1028, %add3A_1043 : vector<16xi32>
      %gather3A_1045 = tpu.vector_load_idx %arg12[%add3A_1044] : memref<3072xf32, #tpu.memory_space<vmem>>[vector<16xi32>], vector<16xf32>,
      %add3A_1046 = arith.addf %add3A_1041, %gather3A_1045 : vector<16xf32>
      %mul3A_1047 = arith.mulf %get3A_1030, %gather3A : vector<16xf32>
      %mul3A_1048 = arith.mulf %get3A_1032, %gather3A_20 : vector<16xf32>
      %add3A_1049 = arith.addf %mul3A_1047, %mul3A_1048 : vector<16xf32>
      %add3A_1050 = arith.addf %add3A_1049, %gather3A_24 : vector<16xf32>
      %add3A_1051 = arith.addf %add3A_1050, %add3A_1046 : vector<16xf32>
      %add3A_1052 = arith.constant 1000 : i32
      %add3A_1053 = vector.broadcast %add3A_1052 : i32 to vector<16xi32>
      %add3A_1054 = arith.addi %and3A_1025, %add3A_1053 : vector<16xi32>
      %add3A_1055 = arith.constant 2000 : i32
      %add3A_1056 = vector.broadcast %add3A_1055 : i32 to vector<16xi32>
      %add3A_1057 = arith.addi %shift_right_arithmetic3A_1028, %add3A_1056 : vector<16xi32>
      %add3A_1058 = arith.constant 0 : i32
      %add3A_1059 = vector.broadcast %add3A_1058 : i32 to vector<16xi32>
      %add3A_1060 = arith.addi %and3A_1019, %add3A_1059 : vector<16xi32>
      %gather3A_1061 = tpu.vector_load_idx %arg11[%add3A_1060] : memref<48000xf32, #tpu.memory_space<vmem>>[vector<16xi32>], vector<16xf32>,
      %add3A_1062 = arith.constant 0 : i32
      %add3A_1063 = vector.broadcast %add3A_1062 : i32 to vector<16xi32>
      %add3A_1064 = arith.addi %add3A_1054, %add3A_1063 : vector<16xi32>
      %gather3A_1065 = tpu.vector_load_idx %arg11[%add3A_1064] : memref<48000xf32, #tpu.memory_space<vmem>>[vector<16xi32>], vector<16xf32>,
      %add3A_1066 = arith.constant 0 : i32
      %add3A_1067 = vector.broadcast %add3A_1066 : i32 to vector<16xi32>
      %add3A_1068 = arith.addi %add3A_1057, %add3A_1067 : vector<16xi32>
      %gather3A_1069 = tpu.vector_load_idx %arg11[%add3A_1068] : memref<48000xf32, #tpu.memory_space<vmem>>[vector<16xi32>], vector<16xf32>,
      %mul3A_1070 = arith.mulf %gather3A_1061, %gather3A_1065 : vector<16xf32>
      %add3A_1071 = arith.addf %gather3A_1061, %gather3A_1065 : vector<16xf32>
      %mul3A_1072 = arith.mulf %gather3A_1069, %add3A_1071 : vector<16xf32>
      %add3A_1073 = arith.addf %mul3A_1070, %mul3A_1072 : vector<16xf32>
      %add3A_1074 = arith.addf %add3A_1051, %add3A_1073 : vector<16xf32>
      %add3A_1075 = arith.constant 3000 : i32
      %add3A_1076 = vector.broadcast %add3A_1075 : i32 to vector<16xi32>
      %add3A_1077 = arith.addi %and3A_1019, %add3A_1076 : vector<16xi32>
      %gather3A_1078 = tpu.vector_load_idx %arg11[%add3A_1077] : memref<48000xf32, #tpu.memory_space<vmem>>[vector<16xi32>], vector<16xf32>,
      %add3A_1079 = arith.constant 3000 : i32
      %add3A_1080 = vector.broadcast %add3A_1079 : i32 to vector<16xi32>
      %add3A_1081 = arith.addi %add3A_1054, %add3A_1080 : vector<16xi32>
      %gather3A_1082 = tpu.vector_load_idx %arg11[%add3A_1081] : memref<48000xf32, #tpu.memory_space<vmem>>[vector<16xi32>], vector<16xf32>,
      %add3A_1083 = arith.constant 3000 : i32
      %add3A_1084 = vector.broadcast %add3A_1083 : i32 to vector<16xi32>
      %add3A_1085 = arith.addi %add3A_1057, %add3A_1084 : vector<16xi32>
      %gather3A_1086 = tpu.vector_load_idx %arg11[%add3A_1085] : memref<48000xf32, #tpu.memory_space<vmem>>[vector<16xi32>], vector<16xf32>,
      %mul3A_1087 = arith.mulf %gather3A_1078, %gather3A_1082 : vector<16xf32>
      %add3A_1088 = arith.addf %gather3A_1078, %gather3A_1082 : vector<16xf32>
      %mul3A_1089 = arith.mulf %gather3A_1086, %add3A_1088 : vector<16xf32>
      %add3A_1090 = arith.addf %mul3A_1087, %mul3A_1089 : vector<16xf32>
      %add3A_1091 = arith.constant 6000 : i32
      %add3A_1092 = vector.broadcast %add3A_1091 : i32 to vector<16xi32>
      %add3A_1093 = arith.addi %and3A_1019, %add3A_1092 : vector<16xi32>
      %gather3A_1094 = tpu.vector_load_idx %arg11[%add3A_1093] : memref<48000xf32, #tpu.memory_space<vmem>>[vector<16xi32>], vector<16xf32>,
      %add3A_1095 = arith.constant 6000 : i32
      %add3A_1096 = vector.broadcast %add3A_1095 : i32 to vector<16xi32>
      %add3A_1097 = arith.addi %add3A_1054, %add3A_1096 : vector<16xi32>
      %gather3A_1098 = tpu.vector_load_idx %arg11[%add3A_1097] : memref<48000xf32, #tpu.memory_space<vmem>>[vector<16xi32>], vector<16xf32>,
      %add3A_1099 = arith.constant 6000 : i32
      %add3A_1100 = vector.broadcast %add3A_1099 : i32 to vector<16xi32>
      %add3A_1101 = arith.addi %add3A_1057, %add3A_1100 : vector<16xi32>
      %gather3A_1102 = tpu.vector_load_idx %arg11[%add3A_1101] : memref<48000xf32, #tpu.memory_space<vmem>>[vector<16xi32>], vector<16xf32>,
      %mul3A_1103 = arith.mulf %gather3A_1094, %gather3A_1098 : vector<16xf32>
      %add3A_1104 = arith.addf %gather3A_1094, %gather3A_1098 : vector<16xf32>
      %mul3A_1105 = arith.mulf %gather3A_1102, %add3A_1104 : vector<16xf32>
      %add3A_1106 = arith.addf %mul3A_1103, %mul3A_1105 : vector<16xf32>
      %add3A_1107 = arith.constant 9000 : i32
      %add3A_1108 = vector.broadcast %add3A_1107 : i32 to vector<16xi32>
      %add3A_1109 = arith.addi %and3A_1019, %add3A_1108 : vector<16xi32>
      %gather3A_1110 = tpu.vector_load_idx %arg11[%add3A_1109] : memref<48000xf32, #tpu.memory_space<vmem>>[vector<16xi32>], vector<16xf32>,
      %add3A_1111 = arith.constant 9000 : i32
      %add3A_1112 = vector.broadcast %add3A_1111 : i32 to vector<16xi32>
      %add3A_1113 = arith.addi %add3A_1054, %add3A_1112 : vector<16xi32>
      %gather3A_1114 = tpu.vector_load_idx %arg11[%add3A_1113] : memref<48000xf32, #tpu.memory_space<vmem>>[vector<16xi32>], vector<16xf32>,
      %add3A_1115 = arith.constant 9000 : i32
      %add3A_1116 = vector.broadcast %add3A_1115 : i32 to vector<16xi32>
      %add3A_1117 = arith.addi %add3A_1057, %add3A_1116 : vector<16xi32>
      %gather3A_1118 = tpu.vector_load_idx %arg11[%add3A_1117] : memref<48000xf32, #tpu.memory_space<vmem>>[vector<16xi32>], vector<16xf32>,
      %mul3A_1119 = arith.mulf %gather3A_1110, %gather3A_1114 : vector<16xf32>
      %add3A_1120 = arith.addf %gather3A_1110, %gather3A_1114 : vector<16xf32>
      %mul3A_1121 = arith.mulf %gather3A_1118, %add3A_1120 : vector<16xf32>
      %add3A_1122 = arith.addf %mul3A_1119, %mul3A_1121 : vector<16xf32>
      %add3A_1123 = arith.constant 12000 : i32
      %add3A_1124 = vector.broadcast %add3A_1123 : i32 to vector<16xi32>
      %add3A_1125 = arith.addi %and3A_1019, %add3A_1124 : vector<16xi32>
      %gather3A_1126 = tpu.vector_load_idx %arg11[%add3A_1125] : memref<48000xf32, #tpu.memory_space<vmem>>[vector<16xi32>], vector<16xf32>,
      %add3A_1127 = arith.constant 12000 : i32
      %add3A_1128 = vector.broadcast %add3A_1127 : i32 to vector<16xi32>
      %add3A_1129 = arith.addi %add3A_1054, %add3A_1128 : vector<16xi32>
      %gather3A_1130 = tpu.vector_load_idx %arg11[%add3A_1129] : memref<48000xf32, #tpu.memory_space<vmem>>[vector<16xi32>], vector<16xf32>,
      %add3A_1131 = arith.constant 12000 : i32
      %add3A_1132 = vector.broadcast %add3A_1131 : i32 to vector<16xi32>
      %add3A_1133 = arith.addi %add3A_1057, %add3A_1132 : vector<16xi32>
      %gather3A_1134 = tpu.vector_load_idx %arg11[%add3A_1133] : memref<48000xf32, #tpu.memory_space<vmem>>[vector<16xi32>], vector<16xf32>,
      %mul3A_1135 = arith.mulf %gather3A_1126, %gather3A_1130 : vector<16xf32>
      %add3A_1136 = arith.addf %gather3A_1126, %gather3A_1130 : vector<16xf32>
      %mul3A_1137 = arith.mulf %gather3A_1134, %add3A_1136 : vector<16xf32>
      %add3A_1138 = arith.addf %mul3A_1135, %mul3A_1137 : vector<16xf32>
      %add3A_1139 = arith.addf %add3A_1074, %add3A_1138 : vector<16xf32>
      %add3A_1140 = arith.constant 15000 : i32
      %add3A_1141 = vector.broadcast %add3A_1140 : i32 to vector<16xi32>
      %add3A_1142 = arith.addi %and3A_1019, %add3A_1141 : vector<16xi32>
      %gather3A_1143 = tpu.vector_load_idx %arg11[%add3A_1142] : memref<48000xf32, #tpu.memory_space<vmem>>[vector<16xi32>], vector<16xf32>,
      %add3A_1144 = arith.constant 15000 : i32
      %add3A_1145 = vector.broadcast %add3A_1144 : i32 to vector<16xi32>
      %add3A_1146 = arith.addi %add3A_1054, %add3A_1145 : vector<16xi32>
      %gather3A_1147 = tpu.vector_load_idx %arg11[%add3A_1146] : memref<48000xf32, #tpu.memory_space<vmem>>[vector<16xi32>], vector<16xf32>,
      %add3A_1148 = arith.constant 15000 : i32
      %add3A_1149 = vector.broadcast %add3A_1148 : i32 to vector<16xi32>
      %add3A_1150 = arith.addi %add3A_1057, %add3A_1149 : vector<16xi32>
      %gather3A_1151 = tpu.vector_load_idx %arg11[%add3A_1150] : memref<48000xf32, #tpu.memory_space<vmem>>[vector<16xi32>], vector<16xf32>,
      %mul3A_1152 = arith.mulf %gather3A_1143, %gather3A_1147 : vector<16xf32>
      %add3A_1153 = arith.addf %gather3A_1143, %gather3A_1147 : vector<16xf32>
      %mul3A_1154 = arith.mulf %gather3A_1151, %add3A_1153 : vector<16xf32>
      %add3A_1155 = arith.addf %mul3A_1152, %mul3A_1154 : vector<16xf32>
      %add3A_1156 = arith.addf %add3A_1090, %add3A_1155 : vector<16xf32>
      %add3A_1157 = arith.constant 18000 : i32
      %add3A_1158 = vector.broadcast %add3A_1157 : i32 to vector<16xi32>
      %add3A_1159 = arith.addi %and3A_1019, %add3A_1158 : vector<16xi32>
      %gather3A_1160 = tpu.vector_load_idx %arg11[%add3A_1159] : memref<48000xf32, #tpu.memory_space<vmem>>[vector<16xi32>], vector<16xf32>,
      %add3A_1161 = arith.constant 18000 : i32
      %add3A_1162 = vector.broadcast %add3A_1161 : i32 to vector<16xi32>
      %add3A_1163 = arith.addi %add3A_1054, %add3A_1162 : vector<16xi32>
      %gather3A_1164 = tpu.vector_load_idx %arg11[%add3A_1163] : memref<48000xf32, #tpu.memory_space<vmem>>[vector<16xi32>], vector<16xf32>,
      %add3A_1165 = arith.constant 18000 : i32
      %add3A_1166 = vector.broadcast %add3A_1165 : i32 to vector<16xi32>
      %add3A_1167 = arith.addi %add3A_1057, %add3A_1166 : vector<16xi32>
      %gather3A_1168 = tpu.vector_load_idx %arg11[%add3A_1167] : memref<48000xf32, #tpu.memory_space<vmem>>[vector<16xi32>], vector<16xf32>,
      %mul3A_1169 = arith.mulf %gather3A_1160, %gather3A_1164 : vector<16xf32>
      %add3A_1170 = arith.addf %gather3A_1160, %gather3A_1164 : vector<16xf32>
      %mul3A_1171 = arith.mulf %gather3A_1168, %add3A_1170 : vector<16xf32>
      %add3A_1172 = arith.addf %mul3A_1169, %mul3A_1171 : vector<16xf32>
      %add3A_1173 = arith.addf %add3A_1106, %add3A_1172 : vector<16xf32>
      %add3A_1174 = arith.constant 21000 : i32
      %add3A_1175 = vector.broadcast %add3A_1174 : i32 to vector<16xi32>
      %add3A_1176 = arith.addi %and3A_1019, %add3A_1175 : vector<16xi32>
      %gather3A_1177 = tpu.vector_load_idx %arg11[%add3A_1176] : memref<48000xf32, #tpu.memory_space<vmem>>[vector<16xi32>], vector<16xf32>,
      %add3A_1178 = arith.constant 21000 : i32
      %add3A_1179 = vector.broadcast %add3A_1178 : i32 to vector<16xi32>
      %add3A_1180 = arith.addi %add3A_1054, %add3A_1179 : vector<16xi32>
      %gather3A_1181 = tpu.vector_load_idx %arg11[%add3A_1180] : memref<48000xf32, #tpu.memory_space<vmem>>[vector<16xi32>], vector<16xf32>,
      %add3A_1182 = arith.constant 21000 : i32
      %add3A_1183 = vector.broadcast %add3A_1182 : i32 to vector<16xi32>
      %add3A_1184 = arith.addi %add3A_1057, %add3A_1183 : vector<16xi32>
      %gather3A_1185 = tpu.vector_load_idx %arg11[%add3A_1184] : memref<48000xf32, #tpu.memory_space<vmem>>[vector<16xi32>], vector<16xf32>,
      %mul3A_1186 = arith.mulf %gather3A_1177, %gather3A_1181 : vector<16xf32>
      %add3A_1187 = arith.addf %gather3A_1177, %gather3A_1181 : vector<16xf32>
      %mul3A_1188 = arith.mulf %gather3A_1185, %add3A_1187 : vector<16xf32>
      %add3A_1189 = arith.addf %mul3A_1186, %mul3A_1188 : vector<16xf32>
      %add3A_1190 = arith.addf %add3A_1122, %add3A_1189 : vector<16xf32>
      %add3A_1191 = arith.constant 24000 : i32
      %add3A_1192 = vector.broadcast %add3A_1191 : i32 to vector<16xi32>
      %add3A_1193 = arith.addi %and3A_1019, %add3A_1192 : vector<16xi32>
      %gather3A_1194 = tpu.vector_load_idx %arg11[%add3A_1193] : memref<48000xf32, #tpu.memory_space<vmem>>[vector<16xi32>], vector<16xf32>,
      %add3A_1195 = arith.constant 24000 : i32
      %add3A_1196 = vector.broadcast %add3A_1195 : i32 to vector<16xi32>
      %add3A_1197 = arith.addi %add3A_1054, %add3A_1196 : vector<16xi32>
      %gather3A_1198 = tpu.vector_load_idx %arg11[%add3A_1197] : memref<48000xf32, #tpu.memory_space<vmem>>[vector<16xi32>], vector<16xf32>,
      %add3A_1199 = arith.constant 24000 : i32
      %add3A_1200 = vector.broadcast %add3A_1199 : i32 to vector<16xi32>
      %add3A_1201 = arith.addi %add3A_1057, %add3A_1200 : vector<16xi32>
      %gather3A_1202 = tpu.vector_load_idx %arg11[%add3A_1201] : memref<48000xf32, #tpu.memory_space<vmem>>[vector<16xi32>], vector<16xf32>,
      %mul3A_1203 = arith.mulf %gather3A_1194, %gather3A_1198 : vector<16xf32>
      %add3A_1204 = arith.addf %gather3A_1194, %gather3A_1198 : vector<16xf32>
      %mul3A_1205 = arith.mulf %gather3A_1202, %add3A_1204 : vector<16xf32>
      %add3A_1206 = arith.addf %mul3A_1203, %mul3A_1205 : vector<16xf32>
      %add3A_1207 = arith.addf %add3A_1139, %add3A_1206 : vector<16xf32>
      %add3A_1208 = arith.constant 27000 : i32
      %add3A_1209 = vector.broadcast %add3A_1208 : i32 to vector<16xi32>
      %add3A_1210 = arith.addi %and3A_1019, %add3A_1209 : vector<16xi32>
      %gather3A_1211 = tpu.vector_load_idx %arg11[%add3A_1210] : memref<48000xf32, #tpu.memory_space<vmem>>[vector<16xi32>], vector<16xf32>,
      %add3A_1212 = arith.constant 27000 : i32
      %add3A_1213 = vector.broadcast %add3A_1212 : i32 to vector<16xi32>
      %add3A_1214 = arith.addi %add3A_1054, %add3A_1213 : vector<16xi32>
      %gather3A_1215 = tpu.vector_load_idx %arg11[%add3A_1214] : memref<48000xf32, #tpu.memory_space<vmem>>[vector<16xi32>], vector<16xf32>,
      %add3A_1216 = arith.constant 27000 : i32
      %add3A_1217 = vector.broadcast %add3A_1216 : i32 to vector<16xi32>
      %add3A_1218 = arith.addi %add3A_1057, %add3A_1217 : vector<16xi32>
      %gather3A_1219 = tpu.vector_load_idx %arg11[%add3A_1218] : memref<48000xf32, #tpu.memory_space<vmem>>[vector<16xi32>], vector<16xf32>,
      %mul3A_1220 = arith.mulf %gather3A_1211, %gather3A_1215 : vector<16xf32>
      %add3A_1221 = arith.addf %gather3A_1211, %gather3A_1215 : vector<16xf32>
      %mul3A_1222 = arith.mulf %gather3A_1219, %add3A_1221 : vector<16xf32>
      %add3A_1223 = arith.addf %mul3A_1220, %mul3A_1222 : vector<16xf32>
      %add3A_1224 = arith.addf %add3A_1156, %add3A_1223 : vector<16xf32>
      %add3A_1225 = arith.constant 30000 : i32
      %add3A_1226 = vector.broadcast %add3A_1225 : i32 to vector<16xi32>
      %add3A_1227 = arith.addi %and3A_1019, %add3A_1226 : vector<16xi32>
      %gather3A_1228 = tpu.vector_load_idx %arg11[%add3A_1227] : memref<48000xf32, #tpu.memory_space<vmem>>[vector<16xi32>], vector<16xf32>,
      %add3A_1229 = arith.constant 30000 : i32
      %add3A_1230 = vector.broadcast %add3A_1229 : i32 to vector<16xi32>
      %add3A_1231 = arith.addi %add3A_1054, %add3A_1230 : vector<16xi32>
      %gather3A_1232 = tpu.vector_load_idx %arg11[%add3A_1231] : memref<48000xf32, #tpu.memory_space<vmem>>[vector<16xi32>], vector<16xf32>,
      %add3A_1233 = arith.constant 30000 : i32
      %add3A_1234 = vector.broadcast %add3A_1233 : i32 to vector<16xi32>
      %add3A_1235 = arith.addi %add3A_1057, %add3A_1234 : vector<16xi32>
      %gather3A_1236 = tpu.vector_load_idx %arg11[%add3A_1235] : memref<48000xf32, #tpu.memory_space<vmem>>[vector<16xi32>], vector<16xf32>,
      %mul3A_1237 = arith.mulf %gather3A_1228, %gather3A_1232 : vector<16xf32>
      %add3A_1238 = arith.addf %gather3A_1228, %gather3A_1232 : vector<16xf32>
      %mul3A_1239 = arith.mulf %gather3A_1236, %add3A_1238 : vector<16xf32>
      %add3A_1240 = arith.addf %mul3A_1237, %mul3A_1239 : vector<16xf32>
      %add3A_1241 = arith.addf %add3A_1173, %add3A_1240 : vector<16xf32>
      %add3A_1242 = arith.constant 33000 : i32
      %add3A_1243 = vector.broadcast %add3A_1242 : i32 to vector<16xi32>
      %add3A_1244 = arith.addi %and3A_1019, %add3A_1243 : vector<16xi32>
      %gather3A_1245 = tpu.vector_load_idx %arg11[%add3A_1244] : memref<48000xf32, #tpu.memory_space<vmem>>[vector<16xi32>], vector<16xf32>,
      %add3A_1246 = arith.constant 33000 : i32
      %add3A_1247 = vector.broadcast %add3A_1246 : i32 to vector<16xi32>
      %add3A_1248 = arith.addi %add3A_1054, %add3A_1247 : vector<16xi32>
      %gather3A_1249 = tpu.vector_load_idx %arg11[%add3A_1248] : memref<48000xf32, #tpu.memory_space<vmem>>[vector<16xi32>], vector<16xf32>,
      %add3A_1250 = arith.constant 33000 : i32
      %add3A_1251 = vector.broadcast %add3A_1250 : i32 to vector<16xi32>
      %add3A_1252 = arith.addi %add3A_1057, %add3A_1251 : vector<16xi32>
      %gather3A_1253 = tpu.vector_load_idx %arg11[%add3A_1252] : memref<48000xf32, #tpu.memory_space<vmem>>[vector<16xi32>], vector<16xf32>,
      %mul3A_1254 = arith.mulf %gather3A_1245, %gather3A_1249 : vector<16xf32>
      %add3A_1255 = arith.addf %gather3A_1245, %gather3A_1249 : vector<16xf32>
      %mul3A_1256 = arith.mulf %gather3A_1253, %add3A_1255 : vector<16xf32>
      %add3A_1257 = arith.addf %mul3A_1254, %mul3A_1256 : vector<16xf32>
      %add3A_1258 = arith.addf %add3A_1190, %add3A_1257 : vector<16xf32>
      %add3A_1259 = arith.constant 36000 : i32
      %add3A_1260 = vector.broadcast %add3A_1259 : i32 to vector<16xi32>
      %add3A_1261 = arith.addi %and3A_1019, %add3A_1260 : vector<16xi32>
      %gather3A_1262 = tpu.vector_load_idx %arg11[%add3A_1261] : memref<48000xf32, #tpu.memory_space<vmem>>[vector<16xi32>], vector<16xf32>,
      %add3A_1263 = arith.constant 36000 : i32
      %add3A_1264 = vector.broadcast %add3A_1263 : i32 to vector<16xi32>
      %add3A_1265 = arith.addi %add3A_1054, %add3A_1264 : vector<16xi32>
      %gather3A_1266 = tpu.vector_load_idx %arg11[%add3A_1265] : memref<48000xf32, #tpu.memory_space<vmem>>[vector<16xi32>], vector<16xf32>,
      %add3A_1267 = arith.constant 36000 : i32
      %add3A_1268 = vector.broadcast %add3A_1267 : i32 to vector<16xi32>
      %add3A_1269 = arith.addi %add3A_1057, %add3A_1268 : vector<16xi32>
      %gather3A_1270 = tpu.vector_load_idx %arg11[%add3A_1269] : memref<48000xf32, #tpu.memory_space<vmem>>[vector<16xi32>], vector<16xf32>,
      %mul3A_1271 = arith.mulf %gather3A_1262, %gather3A_1266 : vector<16xf32>
      %add3A_1272 = arith.addf %gather3A_1262, %gather3A_1266 : vector<16xf32>
      %mul3A_1273 = arith.mulf %gather3A_1270, %add3A_1272 : vector<16xf32>
      %add3A_1274 = arith.addf %mul3A_1271, %mul3A_1273 : vector<16xf32>
      %add3A_1275 = arith.addf %add3A_1207, %add3A_1274 : vector<16xf32>
      %add3A_1276 = arith.constant 39000 : i32
      %add3A_1277 = vector.broadcast %add3A_1276 : i32 to vector<16xi32>
      %add3A_1278 = arith.addi %and3A_1019, %add3A_1277 : vector<16xi32>
      %gather3A_1279 = tpu.vector_load_idx %arg11[%add3A_1278] : memref<48000xf32, #tpu.memory_space<vmem>>[vector<16xi32>], vector<16xf32>,
      %add3A_1280 = arith.constant 39000 : i32
      %add3A_1281 = vector.broadcast %add3A_1280 : i32 to vector<16xi32>
      %add3A_1282 = arith.addi %add3A_1054, %add3A_1281 : vector<16xi32>
      %gather3A_1283 = tpu.vector_load_idx %arg11[%add3A_1282] : memref<48000xf32, #tpu.memory_space<vmem>>[vector<16xi32>], vector<16xf32>,
      %add3A_1284 = arith.constant 39000 : i32
      %add3A_1285 = vector.broadcast %add3A_1284 : i32 to vector<16xi32>
      %add3A_1286 = arith.addi %add3A_1057, %add3A_1285 : vector<16xi32>
      %gather3A_1287 = tpu.vector_load_idx %arg11[%add3A_1286] : memref<48000xf32, #tpu.memory_space<vmem>>[vector<16xi32>], vector<16xf32>,
      %mul3A_1288 = arith.mulf %gather3A_1279, %gather3A_1283 : vector<16xf32>
      %add3A_1289 = arith.addf %gather3A_1279, %gather3A_1283 : vector<16xf32>
      %mul3A_1290 = arith.mulf %gather3A_1287, %add3A_1289 : vector<16xf32>
      %add3A_1291 = arith.addf %mul3A_1288, %mul3A_1290 : vector<16xf32>
      %add3A_1292 = arith.addf %add3A_1224, %add3A_1291 : vector<16xf32>
      %add3A_1293 = arith.constant 42000 : i32
      %add3A_1294 = vector.broadcast %add3A_1293 : i32 to vector<16xi32>
      %add3A_1295 = arith.addi %and3A_1019, %add3A_1294 : vector<16xi32>
      %gather3A_1296 = tpu.vector_load_idx %arg11[%add3A_1295] : memref<48000xf32, #tpu.memory_space<vmem>>[vector<16xi32>], vector<16xf32>,
      %add3A_1297 = arith.constant 42000 : i32
      %add3A_1298 = vector.broadcast %add3A_1297 : i32 to vector<16xi32>
      %add3A_1299 = arith.addi %add3A_1054, %add3A_1298 : vector<16xi32>
      %gather3A_1300 = tpu.vector_load_idx %arg11[%add3A_1299] : memref<48000xf32, #tpu.memory_space<vmem>>[vector<16xi32>], vector<16xf32>,
      %add3A_1301 = arith.constant 42000 : i32
      %add3A_1302 = vector.broadcast %add3A_1301 : i32 to vector<16xi32>
      %add3A_1303 = arith.addi %add3A_1057, %add3A_1302 : vector<16xi32>
      %gather3A_1304 = tpu.vector_load_idx %arg11[%add3A_1303] : memref<48000xf32, #tpu.memory_space<vmem>>[vector<16xi32>], vector<16xf32>,
      %mul3A_1305 = arith.mulf %gather3A_1296, %gather3A_1300 : vector<16xf32>
      %add3A_1306 = arith.addf %gather3A_1296, %gather3A_1300 : vector<16xf32>
      %mul3A_1307 = arith.mulf %gather3A_1304, %add3A_1306 : vector<16xf32>
      %add3A_1308 = arith.addf %mul3A_1305, %mul3A_1307 : vector<16xf32>
      %add3A_1309 = arith.addf %add3A_1241, %add3A_1308 : vector<16xf32>
      %add3A_1310 = arith.constant 45000 : i32
      %add3A_1311 = vector.broadcast %add3A_1310 : i32 to vector<16xi32>
      %add3A_1312 = arith.addi %and3A_1019, %add3A_1311 : vector<16xi32>
      %gather3A_1313 = tpu.vector_load_idx %arg11[%add3A_1312] : memref<48000xf32, #tpu.memory_space<vmem>>[vector<16xi32>], vector<16xf32>,
      %add3A_1314 = arith.constant 45000 : i32
      %add3A_1315 = vector.broadcast %add3A_1314 : i32 to vector<16xi32>
      %add3A_1316 = arith.addi %add3A_1054, %add3A_1315 : vector<16xi32>
      %gather3A_1317 = tpu.vector_load_idx %arg11[%add3A_1316] : memref<48000xf32, #tpu.memory_space<vmem>>[vector<16xi32>], vector<16xf32>,
      %add3A_1318 = arith.constant 45000 : i32
      %add3A_1319 = vector.broadcast %add3A_1318 : i32 to vector<16xi32>
      %add3A_1320 = arith.addi %add3A_1057, %add3A_1319 : vector<16xi32>
      %gather3A_1321 = tpu.vector_load_idx %arg11[%add3A_1320] : memref<48000xf32, #tpu.memory_space<vmem>>[vector<16xi32>], vector<16xf32>,
      %mul3A_1322 = arith.mulf %gather3A_1313, %gather3A_1317 : vector<16xf32>
      %add3A_1323 = arith.addf %gather3A_1313, %gather3A_1317 : vector<16xf32>
      %mul3A_1324 = arith.mulf %gather3A_1321, %add3A_1323 : vector<16xf32>
      %add3A_1325 = arith.addf %mul3A_1322, %mul3A_1324 : vector<16xf32>
      %add3A_1326 = arith.addf %add3A_1258, %add3A_1325 : vector<16xf32>
      %add3A_1327 = arith.addf %add3A_1275, %add3A_1292 : vector<16xf32>
      %add3A_1328 = arith.addf %add3A_1309, %add3A_1326 : vector<16xf32>
      %add3A_1329 = arith.addf %add3A_1327, %add3A_1328 : vector<16xf32>
      %neg3A_1330 = arith.constant 0.000000e+00 : f32
      %neg3A_1331 = vector.broadcast %neg3A_1330 : f32 to vector<16xf32>
      %neg3A_1332 = arith.subf %neg3A_1331, %add3A_1329 : vector<16xf32>
      %exp3A_1333 = math.exp %neg3A_1332 : vector<16xf32>
      %add3A_1334 = arith.constant 1.000000e+00 : f32
      %add3A_1335 = vector.broadcast %add3A_1334 : f32 to vector<16xf32>
      %add3A_1336 = arith.addf %add3A_1335, %exp3A_1333 : vector<16xf32>
      %div3A_1337 = arith.constant 1.000000e+00 : f32
      %div3A_1338 = vector.broadcast %div3A_1337 : f32 to vector<16xf32>
      %div3A_1339 = arith.divf %div3A_1338, %add3A_1336 : vector<16xf32>
      %swap3A_1340 = arith.index_cast %add3A_1014 : i32 to index
      %swap3A_1341 = tpu.vector_load %arg13[%swap3A_1340] {strides = array<i32>} : memref<512xf32, #tpu.memory_space<vmem>>, vector<16xf32>,
      tpu.vector_store %arg13[%swap3A_1340], %div3A_1339 {strides = array<i32>} : memref<512xf32, #tpu.memory_space<vmem>>, vector<16xf32>,
    }
    %scan3A_29 = arith.constant 8 : i32
    "tpu.region"() ({
      %run_scoped3A = tpu.sem_alloc : memref<!tpu.dma_semaphore, #tpu.memory_space<semaphore_mem>>
      %dma_start3A_30 = tpu.memref_slice %arg7[%mul3A_2] : memref<16384xf32, #tpu.memory_space<hbm>> -> memref<512xf32, #tpu.memory_space<hbm>>
      %dma_start3A_31 = tpu.memref_slice %arg7[%mul3A_2] : memref<16384xf32, #tpu.memory_space<hbm>> -> memref<512xf32, #tpu.memory_space<hbm>>
      tpu.enqueue_dma source(%arg13 : memref<512xf32, #tpu.memory_space<vmem>>) target(%dma_start3A_31 : memref<512xf32, #tpu.memory_space<hbm>>) target_semaphore(%run_scoped3A : memref<!tpu.dma_semaphore, #tpu.memory_space<semaphore_mem>>)
      %dma_wait3A_32 = tpu.memref_slice %arg7[%mul3A_2] : memref<16384xf32, #tpu.memory_space<hbm>> -> memref<512xf32, #tpu.memory_space<hbm>>
      %dma_wait3A_33 = tpu.memref_slice %arg7[%mul3A_2] : memref<16384xf32, #tpu.memory_space<hbm>> -> memref<512xf32, #tpu.memory_space<hbm>>
      tpu.wait_dma2 semaphore(%run_scoped3A : memref<!tpu.dma_semaphore, #tpu.memory_space<semaphore_mem>>) src(%arg13 : memref<512xf32, #tpu.memory_space<vmem>>) dst(%dma_wait3A_33 : memref<512xf32, #tpu.memory_space<hbm>>)
      tpu.yield
    }) : () -> ()
    return
  }
}

</mosaic_0001>

<sc_bundles>
// kernel: kernel.3.cloned.1.call-start
scs
__scs_entry_jumppad:
0x0: {  	(pc) =	sbr.rel $0x88, $3  }
0x1: {  	(tag) =	ssettag $0x0;
	lr =	simm.s32 $0x1  }
0x2: {  	[smem:$0x3F9D] =	sst lr;
	_ =	strace $0xD0000000  }
0x3: {  	_ = 	snop  }
0x4: {  	_ = 	snop  }
0x5: {  	_ = 	snop  }
0x6: {  	_ = 	snop  }
0x7: {  	_ = 	snop  }
__scs_overlays_trampoline_lowered:
0x8: {  	[smem:$0x3FAC] =	sst s0  }
0x9: {  	[smem:$0x3FAD] =	sst s1  }
0xa: {  	[smem:$0x3FAE] =	sst s2  }
0xb: {  	[smem:$0x3FAF] =	sst s3  }
0xc: {  	[smem:$0x3FB0] =	sst s4  }
0xd: {  	[smem:$0x3FB1] =	sst s5  }
0xe: {  	[smem:$0x3FB2] =	sst s6  }
0xf: {  	[smem:$0x3FB3] =	sst s7  }
0x10: {  	[smem:$0x3FB4] =	sst s8  }
0x11: {  	[smem:$0x3FB5] =	sst s9;
	s0 =	simm.s32 @!p0 $0x0  }
0x12: {  	s1 =	sld [smem:$0x3F9B];
	s0 =	simm.s32 @p0 $0x1  }
0x13: {  	[smem:$0x3FB6] =	sst s0;
	s0 =	simm.s32 @!p1 $0x0  }
0x14: {  	s2 =	sld [smem:$0x3F9A];
	s0 =	simm.s32 @p1 $0x1  }
0x15: {  	[smem:$0x3FB7] =	sst s0;
	s0 =	simm.s32 @!p2 $0x0  }
0x16: {  	s3 =	sld [smem:$0x3FDB];
	s0 =	simm.s32 @p2 $0x1  }
0x17: {  	s4 =	simm.s32 $0x1BF5;
	[smem:$0x3FB9] =	sst s0  }
0x18: {  	s0 =	sld [smem:$0x3F9C];
	_ =	swait.ge [sflag:s4], $0x0  }
0x19: {  	s7 =	sld [smem:$0x3F9D]  }
0x1a: {  	s8 =	sadd.s32 $0xFFFFE003, lr  }
0x1b: {  	s9 =	sadd.s32 $0xFFFFFEF7, lr;
	s5 =	simm.s32 $0xFFFFFFFF;
	p2 =	slt.u32 s8, $0xFFFFF086  }
0x1c: {  	p1 =	slt.u32 s9, $0xF7A;
	s5 =	simm.s32 @!p2 $0x0  }
0x1d: {  	s5 =	simm.s32 @p1 $0x1;
	p0 =	seq.s32 s7, s2  }
0x1e: {  	s7 =	smul.u32 @!p0 $0xF7A, s2;
	p2 =	seq.s32 @!p0 s5, $0x0  }
0x1f: {  	s9 =	smul.u32 $0xF7A, s1;
	s8 =	simm.s32 @!p0 $0x1BF5;
	p2 =	por !p2, p0  }
0x20: {  	[sflag:s8] =	ssyncset.s32 @!p0 $0xFFFFF086;
	s6 =	sadd.s32 @!p0 s3, s7;
	s7 =	simm.s32 @!p0 $0x108  }
0x21: {  	s3 =	sadd.s32 s3, s9;
	s6 =	sadd.s32 @!p0 $0x88, s6;
	s7 =	simm.s32 @p2 $0x1082  }
0x22: {  	[simem:s7], [sflag:s8] =	dma.local @!p0 [hbm:s6], $0xF7A  }
0x23: {  	s9 =	sor.u32 $0xD0000000, s2;
	s6 =	simm.s32 $0x108;
	_ =	swait.ge @!p0 [sflag:s8], $0x0  }
0x24: {  	s3 =	sadd.s32 $0x88, s3;
	s6 =	simm.s32 @!p1 $0x1082;
	[sflag:s4] =	ssyncset.s32 $0xFFFFF086  }
0x25: {  	[simem:s6], [sflag:s4] =	dma.local [hbm:s3], $0xF7A  }
0x26: {  	[smem:$0x3F9D] =	sst s1;
	(tag) =	ssettag s2;
	_ =	strace s9  }
0x27: {  	s1 =	sld [smem:$0x3FAD]  }
0x28: {  	s2 =	sld [smem:$0x3FAE]  }
0x29: {  	s4 =	sld [smem:$0x3FB0]  }
0x2a: {  	p0 =	seq.s32 s5, $0x0;
	s5 =	sld [smem:$0x3FB1]  }
0x2b: {  	s6 =	sld [smem:$0x3FB2]  }
0x2c: {  	s7 =	sld [smem:$0x3FB3]  }
0x2d: {  	s3 =	simm.s32 $0x108;
	s8 =	sld [smem:$0x3FB4]  }
0x2e: {  	s3 =	simm.s32 @!p0 $0x1082;
	s9 =	sld [smem:$0x3FB5]  }
0x2f: {  	lr =	sadd.s32 s0, s3;
	s0 =	sld [smem:$0x3FAC]  }
0x30: {  	s3 =	sld [smem:$0x3FAF]  }
0x31: {  	[smem:$0x3FB8] =	sst s10  }
0x32: {  	s10 =	sld [smem:$0x3FB6];
	_ =	sdelay $0x3  }
0x33: {  	p0 =	seq.s32 s10, $0x1;
	s10 =	sld [smem:$0x3FB8];
	_ =	sdelay $0x3  }
0x34: {  	[smem:$0x3FB8] =	sst s10  }
0x35: {  	s10 =	sld [smem:$0x3FB7];
	_ =	sdelay $0x3  }
0x36: {  	p1 =	seq.s32 s10, $0x1;
	s10 =	sld [smem:$0x3FB8];
	_ =	sdelay $0x3  }
0x37: {  	[smem:$0x3FB8] =	sst s10  }
0x38: {  	s10 =	sld [smem:$0x3FB9]  }
0x39: {  	_ = 	snop;
	(pc) =	sbr.ind lr, $3  }
0x3a: {  	_ = 	snop  }
0x3b: {  	_ = 	snop  }
0x3c: {  	p2 =	seq.s32 s10, $0x1;
	s10 =	sld [smem:$0x3FB8]  }
0x3d: {  	_ =	shalt  }
0x3e: {  	_ =	shalt  }
0x3f: {  	_ =	shalt  }
0x40: {  	_ =	shalt  }
0x41: {  	_ =	shalt  }
0x42: {  	_ =	shalt  }
0x43: {  	_ =	shalt  }
0x44: {  	_ =	shalt  }
0x45: {  	_ =	shalt  }
0x46: {  	_ =	shalt  }
0x47: {  	_ =	shalt  }
0x48: {  	_ =	shalt  }
0x49: {  	_ =	shalt  }
0x4a: {  	_ =	shalt  }
0x4b: {  	_ =	shalt  }
0x4c: {  	_ =	shalt  }
0x4d: {  	_ =	shalt  }
0x4e: {  	_ =	shalt  }
0x4f: {  	_ =	shalt  }
0x50: {  	_ =	shalt  }
0x51: {  	_ =	shalt  }
0x52: {  	_ =	shalt  }
0x53: {  	_ =	shalt  }
0x54: {  	_ =	shalt  }
0x55: {  	_ =	shalt  }
0x56: {  	_ =	shalt  }
0x57: {  	_ =	shalt  }
0x58: {  	_ =	shalt  }
0x59: {  	_ =	shalt  }
0x5a: {  	_ =	shalt  }
0x5b: {  	_ =	shalt  }
0x5c: {  	_ =	shalt  }
0x5d: {  	_ =	shalt  }
0x5e: {  	_ =	shalt  }
0x5f: {  	_ =	shalt  }
0x60: {  	_ =	shalt  }
0x61: {  	_ =	shalt  }
0x62: {  	_ =	shalt  }
0x63: {  	_ =	shalt  }
0x64: {  	_ =	shalt  }
0x65: {  	_ =	shalt  }
0x66: {  	_ =	shalt  }
0x67: {  	_ =	shalt  }
0x68: {  	_ =	shalt  }
0x69: {  	_ =	shalt  }
0x6a: {  	_ =	shalt  }
0x6b: {  	_ =	shalt  }
0x6c: {  	_ =	shalt  }
0x6d: {  	_ =	shalt  }
0x6e: {  	_ =	shalt  }
0x6f: {  	_ =	shalt  }
0x70: {  	_ =	shalt  }
0x71: {  	_ =	shalt  }
0x72: {  	_ =	shalt  }
0x73: {  	_ =	shalt  }
0x74: {  	_ =	shalt  }
0x75: {  	_ =	shalt  }
0x76: {  	_ =	shalt  }
0x77: {  	_ =	shalt  }
0x78: {  	_ =	shalt  }
0x79: {  	_ =	shalt  }
0x7a: {  	_ =	shalt  }
0x7b: {  	_ =	shalt  }
0x7c: {  	_ =	shalt  }
0x7d: {  	_ =	shalt  }
0x7e: {  	_ =	shalt  }
0x7f: {  	_ =	shalt  }
0x80: {  	_ =	shalt  }
0x81: {  	_ =	shalt  }
0x82: {  	_ =	shalt  }
0x83: {  	_ =	shalt  }
0x84: {  	_ =	shalt  }
0x85: {  	_ =	shalt  }
0x86: {  	_ =	shalt  }
0x87: {  	_ =	shalt  }
.Lfunc_end0:
.L_simem_size_0:
called_computation_lowered:
.L_overlay_start_0:
0x88: {  	s2 =	sld [smem:$0x3FD9]  }
0x89: {  	s3 =	sld [smem:$0x3FFE];
	_ =	sdelay $0x1  }
0x8a: {  	s1 =	srdreg.scid  }
0x8b: {  	s0 =	sand.u32 $0x1, s1  }
0x8c: {  	s17 =	sshll.u32 s0, $0xA;
	s2 =	sadd.s32 s3, s2  }
0x8d: {  	s2 =	sadd.s32 s2, s17  }
0x8e: {  	[smem:$0x3FC4] =	sst s2  }
0x8f: {  	_ = 	snop  }
0x90: {  	s2 =	sld [smem:$0x3FD0];
	(tm) =	ssettm $0x1  }
0x91: {  	s18 =	sld [smem:$0x3FFB];
	_ =	sdelay $0x3  }
0x92: {  	_ =	strace s18  }
0x93: {  	s3 =	sld [smem:$0x3FFC];
	_ =	sdelay $0x3  }
0x94: {  	_ =	strace s3  }
0x95: {  	s3 =	sld [smem:$0x3FFD];
	_ =	sdelay $0x3  }
0x96: {  	_ =	strace s3  }
0x97: {  	_ =	strace $0x8FFFFFFF  }
0x98: {  	s19 =	sld [smem:$0x3FDB];
	_ =	sdelay $0x1  }
0x99: {  	s4 =	simm.s32 $_scs_section_size  }
0x9a: {  	s5 =	simm.s32 $_size__tile_overlayer_lowered;
	s6 =	simm.s32 $_tile_overlayer_lowered  }
0x9b: {  	s22 =	simm.s32 $0x1BFF;
	s21 =	sshll.u32 s6, $0x1;
	s3 =	sadd.s32 s4, s19  }
0x9c: {  	s7 =	simm.s32 $0x0;
	s20 =	sshll.u32 s5, $0x1;
	s5 =	sadd.s32 s21, s3  }
0x9d: {  	[timem:s7], [sflag:s22] =	dma.local [hbm:s5], s20  }
0x9e: {  	_ =	swait.ge [sflag:s22], s20  }
0x9f: {  	s4 =	ssub.s32 $0x0, s20;
	[sflag:s22] =	ssyncset.done $0x0  }
0xa0: {  	[sflag:s22] =	ssyncadd.s32 s4;
	_ =	sdelay $0x1  }
0xa1: {  	s23 =	simm.s32 $0x1B8B  }
0xa2: {  	_ =	swait.ge [sflag:s23], $0x1  }
0xa3: {  	[sflag:s23] =	ssyncset.done $0x0  }
0xa4: {  	s25 =	simm.s32 $0x1B8E;
	s24 =	sld [smem:$0x3FFE];
	[sflag:s23] =	ssyncadd.s32 $0xFFFFFFFF  }
0xa5: {  	s26 =	simm.s32 $execute0_lowered;
	[smem:$0x3FD2] =	sst s25  }
0xa6: {  	s5 =	sshll.u32 s26, $0x1;
	_ =	strace $0x80000046;
	[dreg:$0x1] =	wrdreg $0xFFFFFFFF  }
0xa7: {  	s28 =	simm.s32 $_size_execute0_lowered;
	s3 =	sadd.s32 s3, s5;
	[dreg:$0x0] =	wrdreg $0x0  }
0xa8: {  	s5 =	sshll.u32 s28, $0x1;
	[dreg:$0x2] =	wrdreg s3  }
0xa9: {  	[dreg:$0x3] =	wrdreg s5  }
0xaa: {  	[dreg:$0x4] =	wrdreg $0xC0  }
0xab: {  	_ =	task [dreg:s7], $0x5FFFF  }
0xac: {  	[dreg:$0x1] =	wrdreg $0xFFFFFFFF  }
0xad: {  	[dreg:$0x0] =	wrdreg $0x60  }
0xae: {  	[dreg:$0x2] =	wrdreg s24  }
0xaf: {  	[dreg:$0x3] =	wrdreg s2  }
0xb0: {  	[dreg:$0x4] =	wrdreg $0x9  }
0xb1: {  	_ =	task.clear_ibuf [dreg:s7], $0x5FFFF;
	_ =	strace $0x90000046  }
0xb2: {  	s29 =	simm.s32 $0x9;
	_ =	strace $0x80000048  }
0xb3: {  	_ =	swait.ge [sflag:s29], $0x1  }
0xb4: {  	[sflag:s29] =	ssyncadd.s32 $0xFFFFFFFF  }
0xb5: {  	_ =	strace $0x90000048  }
0xb6: {  	_ =	sfence  }
0xb7: {  	s30 =	sld [smem:$0x0];
	_ =	sdelay $0x2  }
0xb8: {  	s31 =	sshll.u32 s1, $0xD;
	s1 =	sshrl.u32 s1, $0x2  }
0xb9: {  	s3 =	sand.u32 $0x4000, s31;
	s1 =	sadd.s32 s1, s30  }
0xba: {  	s0 =	sor.u32 s3, s0;
	s1 =	sshll.u32 s1, $0x11  }
0xbb: {  	s0 =	sor.u32 s1, s0  }
0xbc: {  	s0 =	sadd.s32 $0x8F2B, s0  }
0xbd: {  	[sflag:s0] =	ssyncadd.remote.s32 $0x1  }
0xbe: {  	_ =	sfence.sel $0xFFFF  }
0xbf: {  	[dreg:$0x0] =	wrdreg $0xFFFFFFFF;
	(pc) =	sbr.abs _section_cstart, $3  }
0xc0: {  	[dreg:$0x1] =	wrdreg $0xFFFFFFFF  }
0xc1: {  	_ =	task.clear_ibuf [dreg:s7], $0x2FFFF;
	_ =	strace $0x9FFFFFFF  }
0xc2: {  	(tm) =	ssettm $0x7FFFFFFF  }
0xc3: {  	_ =	shalt  }
tec
execute0_lowered:
.L_overlay_start_1:
0x0: {  	(tag) =	ssettag $0x1  }
0x1: {  	s4 =	rddreg [dreg:$0x0]  }
0x2: {  	s8 =	rddreg [dreg:$0x1]  }
0x3: {  	s0 =	rddreg [dreg:$0x2];
	s3 =	srdreg.scid  }
0x4: {  	s2 =	simm.s32 $0x0;
	s1 =	stileid.u32;
	s11 =	simm.s32 $0xC180  }
0x5: {  	s12 =	simm.s32 $0x200;
	s13 =	simm.s32 $0x400;
	s14 =	simm.s32 $0x1  }
0x6: {  	s15 =	simm.s32 $0xCD80;
	s16 =	simm.s32 $0x2;
	s17 =	simm.s32 $0x0  }
0x7: {  	s3 =	sand.u32 $0x1, s3;
	[smem:$0x7FF] =	sst s2;
	s5 =	sshll.u32 s1, $0x7  }
0x8: {  	s6 =	sshll.u32 s3, $0x6;
	_ =	strace $0x80000047;
	s30 =	ssub.s32 $0x2, s3  }
0x9: {  	s3 =	sadd.s32 $0x1A00, s4;
	s9 =	sor.u32 s6, s5;
	s31 =	sshrl.u32 s30, $0x1  }
0xa: {  	s7 =	sadd.s32 s9, s4;
	s4 =	sadd.s32 $0x3A00, s4;
	s10 =	ssub.s32 s30, s31  }
0xb: {  	s8 =	sadd.s32 s8, s9;
	s5 =	sadd.s32 $0x3200, s7;
	s6 =	sadd.s32 $0x1200, s7  }
0xc: {  	v0 =	vimm.s32 $0x8;
	v1 =	vimm.s32 $0x9;
	v2 =	vimm.s32 $0xBC2;
	s7 =	sadd.s32 $0xA00, s7;
	s9 =	smax.u32 s10, $0x1;
	s10 =	simm.s32 $0x600  }
.LBB2_1:
0xd: {  	[tilespmem:s10], [sflag:$0x1] =	stream.linear.gather [hbm4b:s3+s2], $0xBB80, $0x38;
	[tilespmem:$0xCF80] =	vst v63  }
0xe: {  	_ = 	snop  }
0xf: {  	[tilespmem:s11], [sflag:$0x1] =	stream.linear.gather [hbm4b:s4+s2], $0xC00, $0x38;
	[tilespmem:$0xCF80] =	vst v63  }
0x10: {  	_ = 	snop  }
0x11: {  	[tilespmem:s2], [sflag:$0x1] =	stream.linear.gather [hbm4b:s5+s2], $0x200, $0x38;
	[tilespmem:$0xCF80] =	vst v63  }
0x12: {  	_ = 	snop  }
0x13: {  	[tilespmem:s12], [sflag:$0x1] =	stream.linear.gather [hbm4b:s6+s2], $0x200, $0x38;
	[tilespmem:$0xCF80] =	vst v63  }
0x14: {  	_ = 	snop  }
0x15: {  	[tilespmem:s13], [sflag:$0x1] =	stream.linear.gather [hbm4b:s7+s2], $0x200, $0x38;
	[tilespmem:$0xCF80] =	vst v63  }
0x16: {  	_ =	swait.ge [sflag:s14], $0xBB80  }
0x17: {  	[sflag:s14] =	ssyncset.done $0x0  }
0x18: {  	[sflag:s14] =	ssyncadd.s32 $0xFFFF4480  }
0x19: {  	_ =	swait.ge [sflag:s14], $0xC00  }
0x1a: {  	[sflag:s14] =	ssyncset.done $0x0  }
0x1b: {  	[sflag:s14] =	ssyncadd.s32 $0xFFFFF400  }
0x1c: {  	_ =	swait.ge [sflag:s14], $0x200  }
0x1d: {  	[sflag:s14] =	ssyncset.done $0x0  }
0x1e: {  	[sflag:s14] =	ssyncadd.s32 $0xFFFFFE00  }
0x1f: {  	_ =	swait.ge [sflag:s14], $0x200  }
0x20: {  	[sflag:s14] =	ssyncset.done $0x0  }
0x21: {  	[sflag:s14] =	ssyncadd.s32 $0xFFFFFE00  }
0x22: {  	_ =	swait.ge [sflag:s14], $0x200  }
0x23: {  	[sflag:s14] =	ssyncset.done $0x0  }
0x24: {  	[sflag:s14] =	ssyncadd.s32 $0xFFFFFE00  }
0x25: {  	v3 =	vld.idx.msk [tilespmem:v0+s11+$0x0], $0xffff  }
0x26: {  	v4 =	vld.idx.msk [tilespmem:v1+s11+$0x0], $0xffff  }
0x27: {  	s18 =	simm.s32 $0x0;
	v5 =	vld.idx.msk [tilespmem:v2+s11+$0x0], $0xffff  }
.LBB2_2:
0x28: {  	s19 =	sshra.s32 s18, $0x2  }
0x29: {  	v6 =	vld [tilespmem:s19+$0x0];
	_ =	sdelay $0x4  }
0x2a: {  	v8 =	vand.u32 $0x3FF, v6  }
0x2b: {  	v9 =	vshrl.u32 v6, $0xA;
	v6 =	vshra.s32 v6, $0x14;
	v10 =	vadd.s32 $0xA, v8  }
0x2c: {  	v12 =	vadd.s32 $0x7DA, v6  }
0x2d: {  	v13 =	vld [tilespmem:s19+$0x200];
	v16 =	vadd.s32 $0x7D0, v6  }
0x2e: {  	v14 =	vld [tilespmem:s19+$0x400];
	v17 =	vadd.s32 $0xBB8, v8  }
0x2f: {  	v20 =	vadd.s32 $0x1388, v6;
	v19 =	vld.idx.msk [tilespmem:v8+s10+$0x0], $0xffff  }
0x30: {  	v21 =	vadd.s32 $0x1770, v8;
	v10 =	vld.idx.msk [tilespmem:v10+s11+$0x0], $0xffff  }
0x31: {  	v23 =	vadd.s32 $0x1F40, v6;
	v12 =	vld.idx.msk [tilespmem:v12+s11+$0x0], $0xffff  }
0x32: {  	v24 =	vadd.s32 $0x2328, v8;
	v16 =	vld.idx.msk [tilespmem:v16+s10+$0x0], $0xffff  }
0x33: {  	v26 =	vadd.s32 $0x2AF8, v6;
	v17 =	vld.idx.msk [tilespmem:v17+s10+$0x0], $0xffff  }
0x34: {  	v27 =	vadd.s32 $0x2EE0, v8;
	v20 =	vld.idx.msk [tilespmem:v20+s10+$0x0], $0xffff  }
0x35: {  	v29 =	vadd.s32 $0x36B0, v6;
	v21 =	vld.idx.msk [tilespmem:v21+s10+$0x0], $0xffff  }
0x36: {  	v31 =	vadd.s32 $0x3A98, v8;
	v23 =	vld.idx.msk [tilespmem:v23+s10+$0x0], $0xffff  }
0x37: {  	v41 =	vadd.s32 $0x4268, v6;
	v24 =	vld.idx.msk [tilespmem:v24+s10+$0x0], $0xffff  }
0x38: {  	v32 =	vadd.s32 $0x4650, v8;
	v26 =	vld.idx.msk [tilespmem:v26+s10+$0x0], $0xffff  }
0x39: {  	v13 =	vmul.f32 v13, v3;
	v7 =	vand.u32 $0x3FF, v9;
	v43 =	vadd.s32 $0x59D8, v6;
	v27 =	vld.idx.msk [tilespmem:v27+s10+$0x0], $0xffff  }
0x3a: {  	v14 =	vmul.f32 v14, v4;
	v46 =	vadd.s32 $0x6590, v6;
	v30 =	vadd.s32 $0x3E80, v7;
	v29 =	vld.idx.msk [tilespmem:v29+s10+$0x0], $0xffff  }
0x3b: {  	v9 =	vand.u32 $0x7F, v9;
	v62 =	vadd.s32 $0x88B8, v6;
	v30 =	vand.u32 $0x7F80, v30;
	v31 =	vld.idx.msk [tilespmem:v31+s10+$0x0], $0xffff  }
0x3c: {  	v11 =	vadd.s32 $0x3F2, v7;
	v9 =	vor.u32 v9, v30;
	v30 =	vld.idx.msk [tilespmem:v41+s10+$0x0], $0xffff  }
0x3d: {  	v15 =	vadd.s32 $0x3E8, v7;
	v42 =	vadd.f32 v14, v13;
	v13 =	vld.idx.msk [tilespmem:v32+s10+$0x0], $0xffff  }
0x3e: {  	v18 =	vadd.s32 $0xFA0, v7;
	v14 =	vld.idx.msk [tilespmem:v43+s10+$0x0], $0xffff  }
0x3f: {  	v22 =	vadd.s32 $0x1B58, v7;
	v32 =	vld.idx.msk [tilespmem:v46+s10+$0x0], $0xffff  }
0x40: {  	v25 =	vadd.s32 $0x2710, v7;
	v46 =	vld.idx.msk [tilespmem:v62+s10+$0x0], $0xffff  }
0x41: {  	v28 =	vadd.s32 $0x32C8, v7;
	v11 =	vld.idx.msk [tilespmem:v11+s11+$0x0], $0xffff  }
0x42: {  	v33 =	vadd.s32 $0x4A38, v7;
	v15 =	vld.idx.msk [tilespmem:v15+s10+$0x0], $0xffff  }
0x43: {  	v36 =	vadd.s32 $0x55F0, v7;
	v18 =	vld.idx.msk [tilespmem:v18+s10+$0x0], $0xffff  }
0x44: {  	v56 =	vadd.s32 $0x7918, v7;
	v22 =	vld.idx.msk [tilespmem:v22+s10+$0x0], $0xffff  }
0x45: {  	v25 =	vld.idx.msk [tilespmem:v25+s10+$0x0], $0xffff  }
0x46: {  	v35 =	vadd.s32 $0x5208, v8;
	v28 =	vld.idx.msk [tilespmem:v28+s10+$0x0], $0xffff  }
0x47: {  	v34 =	vadd.s32 $0x4E20, v6;
	v37 =	vadd.s32 $0x5DC0, v8;
	v33 =	vld.idx.msk [tilespmem:v33+s10+$0x0], $0xffff  }
0x48: {  	v38 =	vadd.s32 $0x6978, v8;
	v52 =	vadd.s32 $0x7148, v6;
	v54 =	vadd.s32 $0x7530, v8;
	v36 =	vld.idx.msk [tilespmem:v36+s10+$0x0], $0xffff  }
0x49: {  	v57 =	vadd.s32 $0x7D00, v6;
	v58 =	vadd.s32 $0x80E8, v8;
	v40 =	vadd.s32 $0x8CA0, v8;
	v63 =	vld.idx.msk [tilespmem:v56+s10+$0x0], $0xffff  }
0x4a: {  	v45 =	vadd.s32 $0x61A8, v7;
	v49 =	vadd.s32 $0x6D60, v7;
	v60 =	vadd.s32 $0x84D0, v7;
	v9 =	vld.idx.msk [tilespmem:v9+s10+$0x0], $0xffff  }
0x4b: {  	v41 =	vadd.s32 $0x9088, v7;
	v44 =	vadd.f32 v15, v19;
	v15 =	vmul.f32 v15, v19;
	v19 =	vld.idx.msk [tilespmem:v35+s10+$0x0], $0xffff  }
0x4c: {  	v43 =	vadd.s32 $0x9470, v6;
	v47 =	vadd.f32 v18, v17;
	v50 =	vmul.f32 v18, v17;
	v18 =	vld.idx.msk [tilespmem:v37+s10+$0x0], $0xffff  }
0x4d: {  	v10 =	vadd.f32 v11, v10;
	v53 =	vadd.f32 v22, v21;
	v21 =	vmul.f32 v22, v21;
	v22 =	vld.idx.msk [tilespmem:v38+s10+$0x0], $0xffff  }
0x4e: {  	v11 =	vadd.f32 v42, v5;
	v55 =	vadd.f32 v25, v24;
	v24 =	vmul.f32 v25, v24;
	v35 =	vld.idx.msk [tilespmem:v54+s10+$0x0], $0xffff  }
0x4f: {  	v59 =	vadd.f32 v28, v27;
	v27 =	vmul.f32 v28, v27;
	v42 =	vadd.f32 v33, v13;
	v25 =	vld.idx.msk [tilespmem:v58+s10+$0x0], $0xffff  }
0x50: {  	v13 =	vmul.f32 v33, v13;
	v10 =	vadd.f32 v12, v10;
	v12 =	vld.idx.msk [tilespmem:v34+s10+$0x0], $0xffff;
	v16 =	vmul.f32 v44, v16  }
0x51: {  	v58 =	vadd.s32 $0xABE0, v6;
	v51 =	vmul.f32 v47, v20;
	v34 =	vld.idx.msk [tilespmem:v45+s10+$0x0], $0xffff;
	v17 =	vmul.f32 v55, v26  }
0x52: {  	v20 =	vld.idx.msk [tilespmem:v52+s10+$0x0], $0xffff;
	v61 =	vadd.f32 v9, v31;
	v9 =	vmul.f32 v9, v31;
	v45 =	vadd.s32 $0x9858, v8  }
0x53: {  	v26 =	vld.idx.msk [tilespmem:v60+s10+$0x0], $0xffff;
	v47 =	vadd.s32 $0x9C40, v7;
	v10 =	vadd.f32 v10, v11;
	v48 =	vadd.f32 v16, v15  }
0x54: {  	v52 =	vld.idx.msk [tilespmem:v43+s10+$0x0], $0xffff;
	v16 =	vadd.f32 v51, v50;
	v11 =	vmul.f32 v53, v23;
	v17 =	vadd.f32 v17, v24  }
0x55: {  	v15 =	vld.idx.msk [tilespmem:v49+s10+$0x0], $0xffff;
	v24 =	vmul.f32 v61, v30;
	v49 =	vadd.s32 $0xA028, v6;
	v51 =	vadd.s32 $0xA410, v8  }
0x56: {  	v23 =	vld.idx.msk [tilespmem:v57+s10+$0x0], $0xffff;
	v53 =	vadd.s32 $0xA7F8, v7;
	v8 =	vadd.s32 $0xAFC8, v8;
	v7 =	vadd.s32 $0xB3B0, v7  }
0x57: {  	v50 =	vld.idx.msk [tilespmem:v41+s10+$0x0], $0xffff;
	v6 =	vadd.s32 $0xB798, v6;
	v44 =	vadd.f32 v36, v19;
	v60 =	vadd.f32 v63, v35  }
0x58: {  	v19 =	vmul.f32 v36, v19;
	v10 =	vadd.f32 v48, v10;
	v11 =	vadd.f32 v11, v21;
	v48 =	vld.idx.msk [tilespmem:v40+s10+$0x0], $0xffff  }
0x59: {  	v21 =	vmul.f32 v59, v29;
	v9 =	vadd.f32 v24, v9;
	v12 =	vmul.f32 v42, v12;
	v55 =	vld.idx.msk [tilespmem:v45+s10+$0x0], $0xffff  }
0x5a: {  	v14 =	vmul.f32 v44, v14;
	v54 =	vadd.f32 v34, v18;
	v57 =	vld.idx.msk [tilespmem:v47+s10+$0x0], $0xffff;
	v61 =	vadd.f32 v26, v25  }
0x5b: {  	v62 =	vmul.f32 v63, v35;
	v21 =	vadd.f32 v21, v27;
	v9 =	vadd.f32 v9, v16;
	v59 =	vld.idx.msk [tilespmem:v51+s10+$0x0], $0xffff  }
0x5c: {  	v18 =	vmul.f32 v34, v18;
	v12 =	vadd.f32 v12, v13;
	v14 =	vadd.f32 v14, v19;
	v19 =	vld.idx.msk [tilespmem:v53+s10+$0x0], $0xffff  }
0x5d: {  	v63 =	vmul.f32 v26, v25;
	v56 =	vadd.f32 v15, v22;
	v8 =	vld.idx.msk [tilespmem:v8+s10+$0x0], $0xffff;
	v10 =	vadd.f32 v21, v10  }
0x5e: {  	v15 =	vmul.f32 v15, v22;
	v7 =	vld.idx.msk [tilespmem:v7+s10+$0x0], $0xffff;
	v11 =	vadd.f32 v12, v11;
	v14 =	vadd.f32 v14, v17  }
0x5f: {  	v25 =	vld.idx.msk [tilespmem:v58+s10+$0x0], $0xffff;
	v12 =	vmul.f32 v54, v32;
	v17 =	vmul.f32 v56, v20;
	v26 =	vadd.f32 v50, v48  }
0x60: {  	v29 =	vld.idx.msk [tilespmem:v49+s10+$0x0], $0xffff;
	v13 =	vmul.f32 v50, v48;
	v27 =	vadd.f32 v57, v55;
	v31 =	vmul.f32 v57, v55  }
0x61: {  	v6 =	vld.idx.msk [tilespmem:v6+s10+$0x0], $0xffff;
	v12 =	vadd.f32 v12, v18;
	v15 =	vadd.f32 v17, v15;
	v18 =	vmul.f32 v60, v23  }
0x62: {  	v17 =	vmul.f32 v61, v46;
	v16 =	vmul.f32 v26, v52;
	v28 =	vadd.f32 v19, v59  }
0x63: {  	v32 =	vadd.f32 v7, v8;
	v33 =	vmul.f32 v19, v59;
	v10 =	vadd.f32 v12, v10  }
0x64: {  	v7 =	vmul.f32 v7, v8;
	v9 =	vadd.f32 v15, v9;
	v12 =	vadd.f32 v18, v62  }
0x65: {  	v15 =	vadd.f32 v17, v63;
	v17 =	vmul.f32 v27, v29;
	v34 =	vadd.f32 v16, v13  }
0x66: {  	v18 =	vmul.f32 v28, v25;
	v6 =	vmul.f32 v32, v6;
	v11 =	vadd.f32 v12, v11  }
0x67: {  	v14 =	vadd.f32 v15, v14;
	v35 =	vadd.f32 v17, v31  }
0x68: {  	v12 =	vadd.f32 v18, v33;
	v6 =	vadd.f32 v6, v7  }
0x69: {  	v7 =	vadd.f32 v34, v10;
	v36 =	vadd.f32 v35, v9  }
0x6a: {  	v37 =	vadd.f32 v12, v11;
	v6 =	vadd.f32 v6, v14;
	_ =	sdelay $0x1  }
0x6b: {  	v7 =	vadd.f32 v36, v7;
	v6 =	vadd.f32 v6, v37;
	_ =	sdelay $0x1  }
0x6c: {  	v6 =	vadd.f32 v6, v7;
	_ =	sdelay $0x1  }
0x6d: {  	v6 =	vsub.f32 $0.0e+00, v6;
	_ =	sdelay $0x1  }
0x6e: {  	v6 =	vmul.f32 $1.442695020e+00, v6;
	_ =	sdelay $0x1  }
0x6f: {  	(erf) = vpow2.f32 v6;
	_ =	sdelay $0x8  }
0x70: {  	v6 =	vpop (erf)  }
0x71: {  	v6 =	vadd.f32 $1.000000000e+00, v6;
	_ =	sdelay $0x1  }
0x72: {  	(erf) = vrcp.f32 v6;
	v6 =	vld [tilespmem:s19+$0x10];
	_ =	sdelay $0x4  }
0x73: {  	v8 =	vand.u32 $0x3FF, v6  }
0x74: {  	v38 =	vshrl.u32 v6, $0xA;
	v6 =	vshra.s32 v6, $0x14;
	v39 =	vadd.s32 $0xA, v8  }
0x75: {  	v41 =	vadd.s32 $0x7DA, v6;
	_ =	sdelay $0x1  }
0x76: {  	v43 =	vld [tilespmem:s19+$0x210];
	v46 =	vadd.s32 $0x7D0, v6;
	v42 =	vpop (erf)  }
0x77: {  	v44 =	vld [tilespmem:s19+$0x410];
	v47 =	vadd.s32 $0xBB8, v8;
	[tilespmem:s19+$0xCD80] =	vst v42  }
0x78: {  	v50 =	vadd.s32 $0x1388, v6;
	v10 =	vld.idx.msk [tilespmem:v39+s11+$0x0], $0xffff  }
0x79: {  	v51 =	vadd.s32 $0x1770, v8;
	v12 =	vld.idx.msk [tilespmem:v41+s11+$0x0], $0xffff  }
0x7a: {  	v53 =	vadd.s32 $0x1F40, v6;
	v49 =	vld.idx.msk [tilespmem:v8+s10+$0x0], $0xffff  }
0x7b: {  	v54 =	vadd.s32 $0x2328, v8;
	v16 =	vld.idx.msk [tilespmem:v46+s10+$0x0], $0xffff  }
0x7c: {  	v56 =	vadd.s32 $0x2AF8, v6;
	v17 =	vld.idx.msk [tilespmem:v47+s10+$0x0], $0xffff  }
0x7d: {  	v57 =	vadd.s32 $0x2EE0, v8;
	v20 =	vld.idx.msk [tilespmem:v50+s10+$0x0], $0xffff  }
0x7e: {  	v59 =	vadd.s32 $0x36B0, v6;
	v21 =	vld.idx.msk [tilespmem:v51+s10+$0x0], $0xffff  }
0x7f: {  	v61 =	vadd.s32 $0x3A98, v8;
	v23 =	vld.idx.msk [tilespmem:v53+s10+$0x0], $0xffff  }
0x80: {  	v62 =	vadd.s32 $0x4268, v6;
	v24 =	vld.idx.msk [tilespmem:v54+s10+$0x0], $0xffff  }
0x81: {  	v7 =	vand.u32 $0x3FF, v38;
	v63 =	vadd.s32 $0x4650, v8;
	v26 =	vld.idx.msk [tilespmem:v56+s10+$0x0], $0xffff  }
0x82: {  	v13 =	vmul.f32 v44, v4;
	v40 =	vadd.s32 $0x3F2, v7;
	v27 =	vld.idx.msk [tilespmem:v57+s10+$0x0], $0xffff  }
0x83: {  	v14 =	vmul.f32 v43, v3;
	v45 =	vadd.s32 $0x3E8, v7;
	v60 =	vadd.s32 $0x3E80, v7;
	v29 =	vld.idx.msk [tilespmem:v59+s10+$0x0], $0xffff  }
0x84: {  	v9 =	vand.u32 $0x7F, v38;
	v48 =	vadd.s32 $0xFA0, v7;
	v30 =	vand.u32 $0x7F80, v60;
	v31 =	vld.idx.msk [tilespmem:v61+s10+$0x0], $0xffff  }
0x85: {  	v52 =	vadd.s32 $0x1B58, v7;
	v9 =	vor.u32 v9, v30;
	v30 =	vld.idx.msk [tilespmem:v62+s10+$0x0], $0xffff  }
0x86: {  	v44 =	vadd.f32 v13, v14;
	v55 =	vadd.s32 $0x2710, v7;
	v13 =	vld.idx.msk [tilespmem:v63+s10+$0x0], $0xffff  }
0x87: {  	v58 =	vadd.s32 $0x32C8, v7;
	v11 =	vld.idx.msk [tilespmem:v40+s11+$0x0], $0xffff  }
0x88: {  	v43 =	vadd.s32 $0x55F0, v7;
	v15 =	vld.idx.msk [tilespmem:v45+s10+$0x0], $0xffff  }
0x89: {  	v60 =	vadd.s32 $0x7918, v7;
	v18 =	vld.idx.msk [tilespmem:v48+s10+$0x0], $0xffff  }
0x8a: {  	v22 =	vld.idx.msk [tilespmem:v52+s10+$0x0], $0xffff  }
0x8b: {  	v42 =	vadd.s32 $0x5208, v8;
	v25 =	vld.idx.msk [tilespmem:v55+s10+$0x0], $0xffff  }
0x8c: {  	v28 =	vld.idx.msk [tilespmem:v58+s10+$0x0], $0xffff;
	v40 =	vadd.s32 $0x4A38, v7  }
0x8d: {  	v45 =	vadd.s32 $0x59D8, v6;
	v36 =	vld.idx.msk [tilespmem:v43+s10+$0x0], $0xffff  }
0x8e: {  	v47 =	vadd.s32 $0x5DC0, v8;
	v43 =	vld.idx.msk [tilespmem:v60+s10+$0x0], $0xffff  }
0x8f: {  	v48 =	vadd.s32 $0x61A8, v7;
	v9 =	vld.idx.msk [tilespmem:v9+s10+$0x0], $0xffff  }
0x90: {  	v41 =	vadd.s32 $0x4E20, v6;
	v51 =	vadd.s32 $0x6978, v8;
	v19 =	vld.idx.msk [tilespmem:v42+s10+$0x0], $0xffff  }
0x91: {  	v53 =	vadd.s32 $0x6D60, v7;
	v56 =	vadd.s32 $0x7148, v6;
	v58 =	vadd.s32 $0x7530, v8;
	v33 =	vld.idx.msk [tilespmem:v40+s10+$0x0], $0xffff  }
0x92: {  	v61 =	vadd.s32 $0x7D00, v6;
	v62 =	vadd.s32 $0x80E8, v8;
	v42 =	vadd.s32 $0x88B8, v6;
	v14 =	vld.idx.msk [tilespmem:v45+s10+$0x0], $0xffff  }
0x93: {  	v10 =	vadd.f32 v11, v10;
	v50 =	vadd.f32 v18, v17;
	v54 =	vmul.f32 v18, v17;
	v18 =	vld.idx.msk [tilespmem:v47+s10+$0x0], $0xffff  }
0x94: {  	v46 =	vadd.f32 v15, v49;
	v11 =	vadd.f32 v44, v5;
	v15 =	vmul.f32 v15, v49;
	v34 =	vld.idx.msk [tilespmem:v48+s10+$0x0], $0xffff  }
0x95: {  	v49 =	vadd.s32 $0x6590, v6;
	v57 =	vadd.f32 v22, v21;
	v21 =	vmul.f32 v22, v21;
	v22 =	vld.idx.msk [tilespmem:v51+s10+$0x0], $0xffff  }
0x96: {  	v59 =	vadd.f32 v25, v24;
	v24 =	vmul.f32 v25, v24;
	v63 =	vadd.f32 v28, v27;
	v35 =	vld.idx.msk [tilespmem:v58+s10+$0x0], $0xffff  }
0x97: {  	v40 =	vadd.s32 $0x84D0, v7;
	v27 =	vmul.f32 v28, v27;
	v44 =	vadd.s32 $0x8CA0, v8;
	v25 =	vld.idx.msk [tilespmem:v62+s10+$0x0], $0xffff  }
0x98: {  	v45 =	vadd.s32 $0x9088, v7;
	v47 =	vadd.s32 $0x9470, v6;
	v10 =	vadd.f32 v12, v10;
	v12 =	vld.idx.msk [tilespmem:v41+s10+$0x0], $0xffff  }
0x99: {  	v51 =	vadd.s32 $0x9C40, v7;
	v16 =	vmul.f32 v46, v16;
	v55 =	vmul.f32 v50, v20;
	v20 =	vld.idx.msk [tilespmem:v56+s10+$0x0], $0xffff  }
0x9a: {  	v62 =	vadd.s32 $0xABE0, v6;
	v17 =	vmul.f32 v59, v26;
	v41 =	vadd.f32 v9, v31;
	v50 =	vld.idx.msk [tilespmem:v42+s10+$0x0], $0xffff  }
0x9b: {  	v9 =	vmul.f32 v9, v31;
	v48 =	vadd.f32 v36, v19;
	v52 =	vadd.f32 v16, v15;
	v15 =	vld.idx.msk [tilespmem:v53+s10+$0x0], $0xffff  }
0x9c: {  	v19 =	vmul.f32 v36, v19;
	v10 =	vadd.f32 v10, v11;
	v11 =	vmul.f32 v57, v23;
	v23 =	vld.idx.msk [tilespmem:v61+s10+$0x0], $0xffff  }
0x9d: {  	v16 =	vadd.f32 v55, v54;
	v17 =	vadd.f32 v17, v24;
	v24 =	vmul.f32 v41, v30;
	v32 =	vld.idx.msk [tilespmem:v49+s10+$0x0], $0xffff  }
0x9e: {  	v53 =	vadd.s32 $0xA028, v6;
	v55 =	vadd.s32 $0xA410, v8;
	v57 =	vadd.s32 $0xA7F8, v7;
	v26 =	vld.idx.msk [tilespmem:v40+s10+$0x0], $0xffff  }
0x9f: {  	v7 =	vadd.s32 $0xB3B0, v7;
	v6 =	vadd.s32 $0xB798, v6;
	v46 =	vadd.f32 v33, v13;
	v54 =	vld.idx.msk [tilespmem:v45+s10+$0x0], $0xffff  }
0xa0: {  	v49 =	vadd.s32 $0x9858, v8;
	v13 =	vmul.f32 v33, v13;
	v14 =	vmul.f32 v48, v14;
	v56 =	vld.idx.msk [tilespmem:v47+s10+$0x0], $0xffff  }
0xa1: {  	v58 =	vadd.f32 v34, v18;
	v61 =	vld.idx.msk [tilespmem:v51+s10+$0x0], $0xffff;
	v11 =	vadd.f32 v11, v21;
	v21 =	vmul.f32 v63, v29  }
0xa2: {  	v10 =	vadd.f32 v52, v10;
	v9 =	vadd.f32 v24, v9;
	v52 =	vld.idx.msk [tilespmem:v44+s10+$0x0], $0xffff;
	v12 =	vmul.f32 v46, v12  }
0xa3: {  	v8 =	vadd.s32 $0xAFC8, v8;
	v14 =	vadd.f32 v14, v19;
	v21 =	vadd.f32 v21, v27;
	v29 =	vld.idx.msk [tilespmem:v53+s10+$0x0], $0xffff  }
0xa4: {  	v18 =	vmul.f32 v34, v18;
	v9 =	vadd.f32 v9, v16;
	v12 =	vadd.f32 v12, v13;
	v63 =	vld.idx.msk [tilespmem:v55+s10+$0x0], $0xffff  }
0xa5: {  	v33 =	vmul.f32 v43, v35;
	v14 =	vadd.f32 v14, v17;
	v60 =	vadd.f32 v15, v22;
	v19 =	vld.idx.msk [tilespmem:v57+s10+$0x0], $0xffff  }
0xa6: {  	v15 =	vmul.f32 v15, v22;
	v7 =	vld.idx.msk [tilespmem:v7+s10+$0x0], $0xffff;
	v10 =	vadd.f32 v21, v10;
	v21 =	vadd.f32 v43, v35  }
0xa7: {  	v59 =	vld.idx.msk [tilespmem:v49+s10+$0x0], $0xffff;
	v11 =	vadd.f32 v12, v11;
	v12 =	vmul.f32 v58, v32;
	v17 =	vmul.f32 v60, v20  }
0xa8: {  	v22 =	vadd.f32 v26, v25;
	v8 =	vld.idx.msk [tilespmem:v8+s10+$0x0], $0xffff;
	v34 =	vmul.f32 v26, v25;
	v36 =	vadd.f32 v54, v52  }
0xa9: {  	v35 =	vld.idx.msk [tilespmem:v62+s10+$0x0], $0xffff;
	v13 =	vmul.f32 v54, v52;
	v12 =	vadd.f32 v12, v18;
	v15 =	vadd.f32 v17, v15  }
0xaa: {  	v6 =	vld.idx.msk [tilespmem:v6+s10+$0x0], $0xffff;
	v18 =	vmul.f32 v21, v23;
	v17 =	vmul.f32 v22, v50;
	v38 =	vadd.f32 v19, v63  }
0xab: {  	v16 =	vmul.f32 v36, v56;
	v10 =	vadd.f32 v12, v10;
	v9 =	vadd.f32 v15, v9  }
0xac: {  	v41 =	vmul.f32 v19, v63;
	v12 =	vadd.f32 v18, v33;
	v15 =	vadd.f32 v17, v34  }
0xad: {  	v37 =	vadd.f32 v61, v59;
	v39 =	vmul.f32 v61, v59;
	v40 =	vadd.f32 v7, v8  }
0xae: {  	v7 =	vmul.f32 v7, v8;
	v42 =	vadd.f32 v16, v13;
	v18 =	vmul.f32 v38, v35  }
0xaf: {  	v17 =	vmul.f32 v37, v29;
	v11 =	vadd.f32 v12, v11;
	v6 =	vmul.f32 v40, v6  }
0xb0: {  	v14 =	vadd.f32 v15, v14;
	v12 =	vadd.f32 v18, v41  }
0xb1: {  	v43 =	vadd.f32 v17, v39;
	v6 =	vadd.f32 v6, v7  }
0xb2: {  	v7 =	vadd.f32 v42, v10;
	v45 =	vadd.f32 v12, v11  }
0xb3: {  	v44 =	vadd.f32 v43, v9;
	v6 =	vadd.f32 v6, v14;
	_ =	sdelay $0x1  }
0xb4: {  	v7 =	vadd.f32 v44, v7;
	v6 =	vadd.f32 v6, v45;
	_ =	sdelay $0x1  }
0xb5: {  	v6 =	vadd.f32 v6, v7;
	_ =	sdelay $0x1  }
0xb6: {  	v6 =	vsub.f32 $0.0e+00, v6;
	_ =	sdelay $0x1  }
0xb7: {  	v6 =	vmul.f32 $1.442695020e+00, v6;
	_ =	sdelay $0x1  }
0xb8: {  	(erf) = vpow2.f32 v6;
	_ =	sdelay $0x8  }
0xb9: {  	v6 =	vpop (erf)  }
0xba: {  	v6 =	vadd.f32 $1.000000000e+00, v6;
	_ =	sdelay $0x1  }
0xbb: {  	(erf) = vrcp.f32 v6;
	v6 =	vld [tilespmem:s19+$0x20];
	_ =	sdelay $0x4  }
0xbc: {  	v8 =	vand.u32 $0x3FF, v6  }
0xbd: {  	v46 =	vshrl.u32 v6, $0xA;
	v6 =	vshra.s32 v6, $0x14;
	v47 =	vadd.s32 $0xA, v8  }
0xbe: {  	v49 =	vadd.s32 $0x7DA, v6;
	_ =	sdelay $0x1  }
0xbf: {  	v51 =	vld [tilespmem:s19+$0x220];
	v54 =	vadd.s32 $0x7D0, v6;
	v50 =	vpop (erf)  }
0xc0: {  	v52 =	vld [tilespmem:s19+$0x420];
	v55 =	vadd.s32 $0xBB8, v8;
	[tilespmem:s19+$0xCD90] =	vst v50  }
0xc1: {  	v58 =	vadd.s32 $0x1388, v6;
	v10 =	vld.idx.msk [tilespmem:v47+s11+$0x0], $0xffff  }
0xc2: {  	v59 =	vadd.s32 $0x1770, v8;
	v12 =	vld.idx.msk [tilespmem:v49+s11+$0x0], $0xffff  }
0xc3: {  	v61 =	vadd.s32 $0x1F40, v6;
	v57 =	vld.idx.msk [tilespmem:v8+s10+$0x0], $0xffff  }
0xc4: {  	v62 =	vadd.s32 $0x2328, v8;
	v16 =	vld.idx.msk [tilespmem:v54+s10+$0x0], $0xffff  }
0xc5: {  	v33 =	vadd.s32 $0x2AF8, v6;
	v17 =	vld.idx.msk [tilespmem:v55+s10+$0x0], $0xffff  }
0xc6: {  	v34 =	vadd.s32 $0x2EE0, v8;
	v20 =	vld.idx.msk [tilespmem:v58+s10+$0x0], $0xffff  }
0xc7: {  	v36 =	vadd.s32 $0x36B0, v6;
	v21 =	vld.idx.msk [tilespmem:v59+s10+$0x0], $0xffff  }
0xc8: {  	v38 =	vadd.s32 $0x3A98, v8;
	v23 =	vld.idx.msk [tilespmem:v61+s10+$0x0], $0xffff  }
0xc9: {  	v39 =	vadd.s32 $0x4268, v6;
	v24 =	vld.idx.msk [tilespmem:v62+s10+$0x0], $0xffff  }
0xca: {  	v40 =	vadd.s32 $0x4650, v8;
	v26 =	vld.idx.msk [tilespmem:v33+s10+$0x0], $0xffff  }
0xcb: {  	v13 =	vmul.f32 v52, v4;
	v7 =	vand.u32 $0x3FF, v46;
	v43 =	vadd.s32 $0x5208, v8;
	v27 =	vld.idx.msk [tilespmem:v34+s10+$0x0], $0xffff  }
0xcc: {  	v9 =	vand.u32 $0x7F, v46;
	v46 =	vadd.s32 $0x59D8, v6;
	v37 =	vadd.s32 $0x3E80, v7;
	v29 =	vld.idx.msk [tilespmem:v36+s10+$0x0], $0xffff  }
0xcd: {  	v14 =	vmul.f32 v51, v3;
	v48 =	vadd.s32 $0x3F2, v7;
	v30 =	vand.u32 $0x7F80, v37;
	v31 =	vld.idx.msk [tilespmem:v38+s10+$0x0], $0xffff  }
0xce: {  	v53 =	vadd.s32 $0x3E8, v7;
	v9 =	vor.u32 v9, v30;
	v30 =	vld.idx.msk [tilespmem:v39+s10+$0x0], $0xffff  }
0xcf: {  	v45 =	vadd.f32 v13, v14;
	v56 =	vadd.s32 $0xFA0, v7;
	v13 =	vld.idx.msk [tilespmem:v40+s10+$0x0], $0xffff  }
0xd0: {  	v60 =	vadd.s32 $0x1B58, v7;
	v19 =	vld.idx.msk [tilespmem:v43+s10+$0x0], $0xffff  }
0xd1: {  	v63 =	vadd.s32 $0x2710, v7;
	v14 =	vld.idx.msk [tilespmem:v46+s10+$0x0], $0xffff  }
0xd2: {  	v35 =	vadd.s32 $0x32C8, v7;
	v11 =	vld.idx.msk [tilespmem:v48+s11+$0x0], $0xffff  }
0xd3: {  	v41 =	vadd.s32 $0x4A38, v7;
	v15 =	vld.idx.msk [tilespmem:v53+s10+$0x0], $0xffff  }
0xd4: {  	v44 =	vadd.s32 $0x55F0, v7;
	v18 =	vld.idx.msk [tilespmem:v56+s10+$0x0], $0xffff  }
0xd5: {  	v22 =	vld.idx.msk [tilespmem:v60+s10+$0x0], $0xffff  }
0xd6: {  	v50 =	vadd.s32 $0x6590, v6;
	v25 =	vld.idx.msk [tilespmem:v63+s10+$0x0], $0xffff  }
0xd7: {  	v49 =	vadd.s32 $0x61A8, v7;
	v28 =	vld.idx.msk [tilespmem:v35+s10+$0x0], $0xffff  }
0xd8: {  	v59 =	vadd.s32 $0x7530, v8;
	v33 =	vld.idx.msk [tilespmem:v41+s10+$0x0], $0xffff  }
0xd9: {  	v42 =	vadd.s32 $0x4E20, v6;
	v61 =	vadd.s32 $0x7918, v7;
	v36 =	vld.idx.msk [tilespmem:v44+s10+$0x0], $0xffff  }
0xda: {  	v52 =	vadd.s32 $0x6978, v8;
	v54 =	vadd.s32 $0x6D60, v7;
	v48 =	vadd.s32 $0x5DC0, v8;
	v9 =	vld.idx.msk [tilespmem:v9+s10+$0x0], $0xffff  }
0xdb: {  	v62 =	vadd.s32 $0x7D00, v6;
	v43 =	vadd.s32 $0x88B8, v6;
	v46 =	vadd.s32 $0x9088, v7;
	v32 =	vld.idx.msk [tilespmem:v50+s10+$0x0], $0xffff  }
0xdc: {  	v63 =	vadd.s32 $0x80E8, v8;
	v41 =	vadd.s32 $0x84D0, v7;
	v34 =	vld.idx.msk [tilespmem:v49+s10+$0x0], $0xffff;
	v10 =	vadd.f32 v11, v10  }
0xdd: {  	v50 =	vadd.s32 $0x9858, v8;
	v35 =	vld.idx.msk [tilespmem:v59+s10+$0x0], $0xffff;
	v47 =	vadd.f32 v15, v57;
	v11 =	vadd.f32 v45, v5  }
0xde: {  	v44 =	vld.idx.msk [tilespmem:v61+s10+$0x0], $0xffff;
	v15 =	vmul.f32 v15, v57;
	v51 =	vadd.f32 v18, v17;
	v55 =	vmul.f32 v18, v17  }
0xdf: {  	v18 =	vld.idx.msk [tilespmem:v48+s10+$0x0], $0xffff;
	v57 =	vadd.s32 $0x7148, v6;
	v58 =	vadd.f32 v22, v21;
	v60 =	vadd.f32 v25, v24  }
0xe0: {  	v21 =	vmul.f32 v22, v21;
	v22 =	vld.idx.msk [tilespmem:v52+s10+$0x0], $0xffff;
	v24 =	vmul.f32 v25, v24;
	v40 =	vadd.f32 v28, v27  }
0xe1: {  	v27 =	vmul.f32 v28, v27;
	v45 =	vadd.s32 $0x8CA0, v8;
	v25 =	vld.idx.msk [tilespmem:v63+s10+$0x0], $0xffff;
	v48 =	vadd.s32 $0x9470, v6  }
0xe2: {  	v49 =	vadd.f32 v36, v19;
	v52 =	vadd.s32 $0x9C40, v7;
	v10 =	vadd.f32 v12, v10;
	v12 =	vld.idx.msk [tilespmem:v42+s10+$0x0], $0xffff  }
0xe3: {  	v19 =	vmul.f32 v36, v19;
	v63 =	vadd.s32 $0xABE0, v6;
	v17 =	vmul.f32 v60, v26;
	v26 =	vld.idx.msk [tilespmem:v41+s10+$0x0], $0xffff  }
0xe4: {  	v16 =	vmul.f32 v47, v16;
	v56 =	vmul.f32 v51, v20;
	v42 =	vadd.f32 v9, v31;
	v51 =	vld.idx.msk [tilespmem:v43+s10+$0x0], $0xffff  }
0xe5: {  	v9 =	vmul.f32 v9, v31;
	v47 =	vadd.f32 v33, v13;
	v13 =	vmul.f32 v33, v13;
	v60 =	vld.idx.msk [tilespmem:v50+s10+$0x0], $0xffff  }
0xe6: {  	v14 =	vmul.f32 v49, v14;
	v10 =	vadd.f32 v10, v11;
	v53 =	vadd.f32 v16, v15;
	v15 =	vld.idx.msk [tilespmem:v54+s10+$0x0], $0xffff  }
0xe7: {  	v16 =	vadd.f32 v56, v55;
	v11 =	vmul.f32 v58, v23;
	v17 =	vadd.f32 v17, v24;
	v23 =	vld.idx.msk [tilespmem:v62+s10+$0x0], $0xffff  }
0xe8: {  	v24 =	vmul.f32 v42, v30;
	v54 =	vadd.s32 $0xA028, v6;
	v55 =	vld.idx.msk [tilespmem:v46+s10+$0x0], $0xffff;
	v56 =	vadd.s32 $0xA410, v8  }
0xe9: {  	v14 =	vadd.f32 v14, v19;
	v58 =	vadd.s32 $0xA7F8, v7;
	v8 =	vadd.s32 $0xAFC8, v8;
	v20 =	vld.idx.msk [tilespmem:v57+s10+$0x0], $0xffff  }
0xea: {  	v7 =	vadd.s32 $0xB3B0, v7;
	v6 =	vadd.s32 $0xB798, v6;
	v37 =	vadd.f32 v44, v35;
	v57 =	vld.idx.msk [tilespmem:v48+s10+$0x0], $0xffff  }
0xeb: {  	v39 =	vmul.f32 v44, v35;
	v59 =	vadd.f32 v34, v18;
	v62 =	vld.idx.msk [tilespmem:v52+s10+$0x0], $0xffff;
	v10 =	vadd.f32 v53, v10  }
0xec: {  	v11 =	vadd.f32 v11, v21;
	v21 =	vmul.f32 v40, v29;
	v9 =	vadd.f32 v24, v9;
	v53 =	vld.idx.msk [tilespmem:v45+s10+$0x0], $0xffff  }
0xed: {  	v14 =	vadd.f32 v14, v17;
	v12 =	vmul.f32 v47, v12;
	v38 =	vadd.f32 v26, v25;
	v36 =	vld.idx.msk [tilespmem:v56+s10+$0x0], $0xffff  }
0xee: {  	v18 =	vmul.f32 v34, v18;
	v21 =	vadd.f32 v21, v27;
	v9 =	vadd.f32 v9, v16;
	v19 =	vld.idx.msk [tilespmem:v58+s10+$0x0], $0xffff  }
0xef: {  	v40 =	vmul.f32 v26, v25;
	v12 =	vadd.f32 v12, v13;
	v61 =	vadd.f32 v15, v22;
	v8 =	vld.idx.msk [tilespmem:v8+s10+$0x0], $0xffff  }
0xf0: {  	v15 =	vmul.f32 v15, v22;
	v7 =	vld.idx.msk [tilespmem:v7+s10+$0x0], $0xffff;
	v10 =	vadd.f32 v21, v10;
	v43 =	vadd.f32 v62, v60  }
0xf1: {  	v41 =	vld.idx.msk [tilespmem:v63+s10+$0x0], $0xffff;
	v11 =	vadd.f32 v12, v11;
	v12 =	vmul.f32 v59, v32;
	v17 =	vmul.f32 v61, v20  }
0xf2: {  	v29 =	vld.idx.msk [tilespmem:v54+s10+$0x0], $0xffff;
	v45 =	vmul.f32 v62, v60;
	v42 =	vadd.f32 v55, v53;
	v13 =	vmul.f32 v55, v53  }
0xf3: {  	v6 =	vld.idx.msk [tilespmem:v6+s10+$0x0], $0xffff;
	v12 =	vadd.f32 v12, v18;
	v15 =	vadd.f32 v17, v15;
	v18 =	vmul.f32 v37, v23  }
0xf4: {  	v17 =	vmul.f32 v38, v51;
	v16 =	vmul.f32 v42, v57;
	v44 =	vadd.f32 v19, v36  }
0xf5: {  	v46 =	vadd.f32 v7, v8;
	v47 =	vmul.f32 v19, v36;
	v10 =	vadd.f32 v12, v10  }
0xf6: {  	v7 =	vmul.f32 v7, v8;
	v9 =	vadd.f32 v15, v9;
	v12 =	vadd.f32 v18, v39  }
0xf7: {  	v15 =	vadd.f32 v17, v40;
	v17 =	vmul.f32 v43, v29;
	v48 =	vadd.f32 v16, v13  }
0xf8: {  	v18 =	vmul.f32 v44, v41;
	v6 =	vmul.f32 v46, v6;
	v11 =	vadd.f32 v12, v11  }
0xf9: {  	v14 =	vadd.f32 v15, v14;
	v49 =	vadd.f32 v17, v45  }
0xfa: {  	v12 =	vadd.f32 v18, v47;
	v6 =	vadd.f32 v6, v7  }
0xfb: {  	v7 =	vadd.f32 v48, v10;
	v50 =	vadd.f32 v49, v9  }
0xfc: {  	v51 =	vadd.f32 v12, v11;
	v6 =	vadd.f32 v6, v14;
	_ =	sdelay $0x1  }
0xfd: {  	v7 =	vadd.f32 v50, v7;
	v6 =	vadd.f32 v6, v51;
	_ =	sdelay $0x1  }
0xfe: {  	v6 =	vadd.f32 v6, v7;
	_ =	sdelay $0x1  }
0xff: {  	v6 =	vsub.f32 $0.0e+00, v6;
	_ =	sdelay $0x1  }
0x100: {  	v6 =	vmul.f32 $1.442695020e+00, v6;
	_ =	sdelay $0x1  }
0x101: {  	(erf) = vpow2.f32 v6;
	_ =	sdelay $0x8  }
0x102: {  	v6 =	vpop (erf)  }
0x103: {  	v6 =	vadd.f32 $1.000000000e+00, v6;
	_ =	sdelay $0x1  }
0x104: {  	(erf) = vrcp.f32 v6;
	v6 =	vld [tilespmem:s19+$0x30];
	_ =	sdelay $0x4  }
0x105: {  	v8 =	vand.u32 $0x3FF, v6  }
0x106: {  	v52 =	vshrl.u32 v6, $0xA;
	v6 =	vshra.s32 v6, $0x14;
	v53 =	vadd.s32 $0xA, v8  }
0x107: {  	v55 =	vadd.s32 $0x7DA, v6;
	_ =	sdelay $0x1  }
0x108: {  	v58 =	vld [tilespmem:s19+$0x430];
	v60 =	vadd.s32 $0x7D0, v6;
	v56 =	vpop (erf)  }
0x109: {  	v57 =	vld [tilespmem:s19+$0x230];
	v61 =	vadd.s32 $0xBB8, v8;
	[tilespmem:s19+$0xCDA0] =	vst v56  }
0x10a: {  	v38 =	vadd.s32 $0x1388, v6;
	v10 =	vld.idx.msk [tilespmem:v53+s11+$0x0], $0xffff  }
0x10b: {  	v39 =	vadd.s32 $0x1770, v8;
	v12 =	vld.idx.msk [tilespmem:v55+s11+$0x0], $0xffff  }
0x10c: {  	v41 =	vadd.s32 $0x1F40, v6;
	v63 =	vld.idx.msk [tilespmem:v8+s10+$0x0], $0xffff  }
0x10d: {  	v42 =	vadd.s32 $0x2328, v8;
	v16 =	vld.idx.msk [tilespmem:v60+s10+$0x0], $0xffff  }
0x10e: {  	v44 =	vadd.s32 $0x2AF8, v6;
	v17 =	vld.idx.msk [tilespmem:v61+s10+$0x0], $0xffff  }
0x10f: {  	v45 =	vadd.s32 $0x2EE0, v8;
	v20 =	vld.idx.msk [tilespmem:v38+s10+$0x0], $0xffff  }
0x110: {  	v47 =	vadd.s32 $0x36B0, v6;
	v21 =	vld.idx.msk [tilespmem:v39+s10+$0x0], $0xffff  }
0x111: {  	v49 =	vadd.s32 $0x3A98, v8;
	v23 =	vld.idx.msk [tilespmem:v41+s10+$0x0], $0xffff  }
0x112: {  	v50 =	vadd.s32 $0x4268, v6;
	v24 =	vld.idx.msk [tilespmem:v42+s10+$0x0], $0xffff  }
0x113: {  	v51 =	vadd.s32 $0x4650, v8;
	v26 =	vld.idx.msk [tilespmem:v44+s10+$0x0], $0xffff  }
0x114: {  	v14 =	vmul.f32 v57, v3;
	v7 =	vand.u32 $0x3FF, v52;
	v57 =	vadd.s32 $0x59D8, v6;
	v27 =	vld.idx.msk [tilespmem:v45+s10+$0x0], $0xffff  }
0x115: {  	v13 =	vmul.f32 v58, v4;
	v54 =	vadd.s32 $0x3F2, v7;
	v48 =	vadd.s32 $0x3E80, v7;
	v29 =	vld.idx.msk [tilespmem:v47+s10+$0x0], $0xffff  }
0x116: {  	v9 =	vand.u32 $0x7F, v52;
	v59 =	vadd.s32 $0x3E8, v7;
	v30 =	vand.u32 $0x7F80, v48;
	v31 =	vld.idx.msk [tilespmem:v49+s10+$0x0], $0xffff  }
0x117: {  	v62 =	vadd.s32 $0xFA0, v7;
	v9 =	vor.u32 v9, v30;
	v30 =	vld.idx.msk [tilespmem:v50+s10+$0x0], $0xffff  }
0x118: {  	v40 =	vadd.s32 $0x1B58, v7;
	v56 =	vadd.f32 v13, v14;
	v13 =	vld.idx.msk [tilespmem:v51+s10+$0x0], $0xffff  }
0x119: {  	v43 =	vadd.s32 $0x2710, v7;
	v14 =	vld.idx.msk [tilespmem:v57+s10+$0x0], $0xffff  }
0x11a: {  	v46 =	vadd.s32 $0x32C8, v7;
	v11 =	vld.idx.msk [tilespmem:v54+s11+$0x0], $0xffff  }
0x11b: {  	v52 =	vadd.s32 $0x4A38, v7;
	v15 =	vld.idx.msk [tilespmem:v59+s10+$0x0], $0xffff  }
0x11c: {  	v18 =	vld.idx.msk [tilespmem:v62+s10+$0x0], $0xffff  }
0x11d: {  	v55 =	vadd.s32 $0x55F0, v7;
	v22 =	vld.idx.msk [tilespmem:v40+s10+$0x0], $0xffff  }
0x11e: {  	v60 =	vadd.s32 $0x61A8, v7;
	v25 =	vld.idx.msk [tilespmem:v43+s10+$0x0], $0xffff  }
0x11f: {  	v61 =	vadd.s32 $0x6590, v6;
	v28 =	vld.idx.msk [tilespmem:v46+s10+$0x0], $0xffff  }
0x120: {  	v45 =	vadd.s32 $0x7530, v8;
	v33 =	vld.idx.msk [tilespmem:v52+s10+$0x0], $0xffff  }
0x121: {  	v47 =	vadd.s32 $0x7918, v7;
	v9 =	vld.idx.msk [tilespmem:v9+s10+$0x0], $0xffff  }
0x122: {  	v53 =	vadd.s32 $0x4E20, v6;
	v54 =	vadd.s32 $0x5208, v8;
	v36 =	vld.idx.msk [tilespmem:v55+s10+$0x0], $0xffff  }
0x123: {  	v49 =	vadd.s32 $0x7D00, v6;
	v50 =	vadd.s32 $0x80E8, v8;
	v59 =	vadd.s32 $0x5DC0, v8;
	v34 =	vld.idx.msk [tilespmem:v60+s10+$0x0], $0xffff  }
0x124: {  	v57 =	vadd.s32 $0x9088, v7;
	v38 =	vadd.s32 $0xA028, v6;
	v40 =	vadd.s32 $0x6D60, v7;
	v32 =	vld.idx.msk [tilespmem:v61+s10+$0x0], $0xffff  }
0x125: {  	v43 =	vadd.s32 $0x7148, v6;
	v52 =	vadd.s32 $0x84D0, v7;
	v35 =	vld.idx.msk [tilespmem:v45+s10+$0x0], $0xffff;
	v61 =	vadd.s32 $0x9858, v8  }
0x126: {  	v55 =	vld.idx.msk [tilespmem:v47+s10+$0x0], $0xffff;
	v47 =	vadd.s32 $0xABE0, v6;
	v10 =	vadd.f32 v11, v10;
	v58 =	vadd.f32 v15, v63  }
0x127: {  	v11 =	vadd.f32 v56, v5;
	v15 =	vmul.f32 v15, v63;
	v19 =	vld.idx.msk [tilespmem:v54+s10+$0x0], $0xffff;
	v62 =	vadd.f32 v18, v17  }
0x128: {  	v63 =	vadd.s32 $0x6978, v8;
	v41 =	vmul.f32 v18, v17;
	v18 =	vld.idx.msk [tilespmem:v59+s10+$0x0], $0xffff;
	v44 =	vadd.f32 v22, v21  }
0x129: {  	v46 =	vadd.f32 v25, v24;
	v21 =	vmul.f32 v22, v21;
	v24 =	vmul.f32 v25, v24;
	v25 =	vld.idx.msk [tilespmem:v50+s10+$0x0], $0xffff  }
0x12a: {  	v51 =	vadd.f32 v28, v27;
	v27 =	vmul.f32 v28, v27;
	v10 =	vadd.f32 v12, v10;
	v12 =	vld.idx.msk [tilespmem:v53+s10+$0x0], $0xffff  }
0x12b: {  	v54 =	vadd.s32 $0x88B8, v6;
	v16 =	vmul.f32 v58, v16;
	v42 =	vmul.f32 v62, v20;
	v20 =	vld.idx.msk [tilespmem:v43+s10+$0x0], $0xffff  }
0x12c: {  	v56 =	vadd.s32 $0x8CA0, v8;
	v59 =	vadd.s32 $0x9470, v6;
	v17 =	vmul.f32 v46, v26;
	v26 =	vld.idx.msk [tilespmem:v52+s10+$0x0], $0xffff  }
0x12d: {  	v6 =	vadd.s32 $0xB798, v6;
	v53 =	vadd.f32 v9, v31;
	v39 =	vadd.f32 v16, v15;
	v15 =	vld.idx.msk [tilespmem:v40+s10+$0x0], $0xffff  }
0x12e: {  	v9 =	vmul.f32 v9, v31;
	v10 =	vadd.f32 v10, v11;
	v11 =	vmul.f32 v44, v23;
	v23 =	vld.idx.msk [tilespmem:v49+s10+$0x0], $0xffff  }
0x12f: {  	v58 =	vadd.f32 v33, v13;
	v13 =	vmul.f32 v33, v13;
	v16 =	vadd.f32 v42, v41;
	v44 =	vld.idx.msk [tilespmem:v61+s10+$0x0], $0xffff  }
0x130: {  	v17 =	vadd.f32 v17, v24;
	v24 =	vmul.f32 v53, v30;
	v42 =	vadd.s32 $0xA7F8, v7;
	v48 =	vld.idx.msk [tilespmem:v63+s10+$0x0], $0xffff  }
0x131: {  	v40 =	vadd.s32 $0xA410, v8;
	v8 =	vadd.s32 $0xAFC8, v8;
	v60 =	vadd.f32 v36, v19;
	v62 =	vld.idx.msk [tilespmem:v54+s10+$0x0], $0xffff  }
0x132: {  	v49 =	vadd.f32 v55, v35;
	v63 =	vadd.s32 $0x9C40, v7;
	v19 =	vmul.f32 v36, v19;
	v36 =	vld.idx.msk [tilespmem:v56+s10+$0x0], $0xffff  }
0x133: {  	v41 =	vld.idx.msk [tilespmem:v59+s10+$0x0], $0xffff;
	v43 =	vadd.f32 v34, v18;
	v7 =	vadd.s32 $0xB3B0, v7;
	v14 =	vmul.f32 v60, v14  }
0x134: {  	v10 =	vadd.f32 v39, v10;
	v11 =	vadd.f32 v11, v21;
	v39 =	vld.idx.msk [tilespmem:v57+s10+$0x0], $0xffff;
	v12 =	vmul.f32 v58, v12  }
0x135: {  	v21 =	vmul.f32 v51, v29;
	v9 =	vadd.f32 v24, v9;
	v14 =	vadd.f32 v14, v19;
	v19 =	vld.idx.msk [tilespmem:v42+s10+$0x0], $0xffff  }
0x136: {  	v18 =	vmul.f32 v34, v18;
	v50 =	vadd.f32 v26, v25;
	v12 =	vadd.f32 v12, v13;
	v8 =	vld.idx.msk [tilespmem:v8+s10+$0x0], $0xffff  }
0x137: {  	v51 =	vmul.f32 v55, v35;
	v21 =	vadd.f32 v21, v27;
	v45 =	vadd.f32 v15, v48;
	v46 =	vld.idx.msk [tilespmem:v63+s10+$0x0], $0xffff  }
0x138: {  	v15 =	vmul.f32 v15, v48;
	v48 =	vld.idx.msk [tilespmem:v40+s10+$0x0], $0xffff;
	v11 =	vadd.f32 v12, v11;
	v12 =	vmul.f32 v43, v32  }
0x139: {  	v52 =	vmul.f32 v26, v25;
	v10 =	vadd.f32 v21, v10;
	v7 =	vld.idx.msk [tilespmem:v7+s10+$0x0], $0xffff;
	v14 =	vadd.f32 v14, v17  }
0x13a: {  	v53 =	vld.idx.msk [tilespmem:v47+s10+$0x0], $0xffff;
	v54 =	vadd.f32 v39, v36;
	v17 =	vmul.f32 v45, v20;
	v12 =	vadd.f32 v12, v18  }
0x13b: {  	v29 =	vld.idx.msk [tilespmem:v38+s10+$0x0], $0xffff;
	v9 =	vadd.f32 v9, v16;
	v13 =	vmul.f32 v39, v36;
	v18 =	vmul.f32 v49, v23  }
0x13c: {  	v6 =	vld.idx.msk [tilespmem:v6+s10+$0x0], $0xffff;
	v16 =	vmul.f32 v54, v41;
	v15 =	vadd.f32 v17, v15;
	v10 =	vadd.f32 v12, v10  }
0x13d: {  	v17 =	vmul.f32 v50, v62;
	v12 =	vadd.f32 v18, v51;
	v55 =	vadd.f32 v46, v44  }
0x13e: {  	v56 =	vadd.f32 v19, v48;
	v57 =	vmul.f32 v46, v44;
	v58 =	vadd.f32 v7, v8  }
0x13f: {  	v59 =	vmul.f32 v19, v48;
	v7 =	vmul.f32 v7, v8;
	v60 =	vadd.f32 v16, v13  }
0x140: {  	v9 =	vadd.f32 v15, v9;
	v15 =	vadd.f32 v17, v52;
	v17 =	vmul.f32 v55, v29  }
0x141: {  	v11 =	vadd.f32 v12, v11;
	v18 =	vmul.f32 v56, v53;
	v6 =	vmul.f32 v58, v6  }
0x142: {  	v14 =	vadd.f32 v15, v14;
	v61 =	vadd.f32 v17, v57  }
0x143: {  	v12 =	vadd.f32 v18, v59;
	v6 =	vadd.f32 v6, v7  }
0x144: {  	v7 =	vadd.f32 v60, v10;
	v62 =	vadd.f32 v61, v9  }
0x145: {  	v63 =	vadd.f32 v12, v11;
	v6 =	vadd.f32 v6, v14;
	_ =	sdelay $0x1  }
0x146: {  	v7 =	vadd.f32 v62, v7;
	v6 =	vadd.f32 v6, v63;
	_ =	sdelay $0x1  }
0x147: {  	v6 =	vadd.f32 v6, v7;
	_ =	sdelay $0x1  }
0x148: {  	v6 =	vsub.f32 $0.0e+00, v6;
	_ =	sdelay $0x1  }
0x149: {  	v6 =	vmul.f32 $1.442695020e+00, v6;
	_ =	sdelay $0x1  }
0x14a: {  	(erf) = vpow2.f32 v6;
	_ =	sdelay $0x8  }
0x14b: {  	v6 =	vpop (erf)  }
0x14c: {  	v6 =	vadd.f32 $1.000000000e+00, v6;
	_ =	sdelay $0x1  }
0x14d: {  	(erf) = vrcp.f32 v6;
	_ =	sdelay $0x4  }
0x14e: {  	p0 =	sne.s32 s18, $0x700  }
.Ltmp0:
0x14f: {  	_ = 	snop;
	(pc) =	sbr.rel @p0 .LBB2_2-.Ltmp0, $3  }
0x150: {  	_ =	sdelay $0x1  }
0x151: {  	v6 =	vpop (erf)  }
0x152: {  	s18 =	sadd.s32 $0x100, s18;
	[tilespmem:s19+$0xCDB0] =	vst v6  }
0x153: {  	s17 =	sadd.s32 $0x1, s17  }
0x154: {  	p0 =	sne.s32 s17, s9  }
.Ltmp1:
0x155: {  	_ = 	snop;
	(pc) =	sbr.rel @p0 .LBB2_1-.Ltmp1, $4  }
0x156: {  	[hbm4b:s8+s2] =	stream.linear.scatter [tilespmem:s15], [sflag:$0x2], $0x200, $0x38;
	[tilespmem:$0xCF80] =	vst v63  }
0x157: {  	_ =	swait.ge [sflag:s16], $0x200  }
0x158: {  	[sflag:s16] =	ssyncset.done $0x0  }
0x159: {  	[sflag:s16] =	ssyncadd.s32 $0xFFFFFE00  }
0x15a: {  	_ =	sfence.sel $0x180000  }
0x15b: {  	[bflag:$0x0] =	sbarrier.arrive $0xFFFF  }
0x15c: {  	p0 =	sne.s32 s1, $0x0;
	_ =	strace $0x90000047  }
0x15d: {  	s0 =	sadd.s32 @!p0 $0x100000, s0;
	[bflag:$0x2] =	sbarrier.arrive $0xFFFF  }
0x15e: {  	[sflag:s0] =	ssyncadd.tile.s32 @!p0 $0x1;
	_ =	shalt  }
.Lfunc_end2:
_tile_overlayer_lowered:
.L_overlay_start_2:
0x15f: {  	(tag) =	ssettag $0x2  }
0x160: {  	s0 =	rddreg [dreg:$0x0];
	s2 =	stileid.u32  }
0x161: {  	s1 =	rddreg [dreg:$0x1];
	p0 =	sne.s32 s2, $0x0  }
0x162: {  	s3 =	rddreg [dreg:$0x2];
	[bflag:$0x3] =	sbarrier.arrive $0xFFFF;
	s2 =	simm.s32 @!p0 $0x1C02  }
0x163: {  	[timem:s3], [sflag:s2] =	dma.local @!p0 [hbm:s0], s1  }
0x164: {  	s0 =	simm.s32 @!p0 $0x2  }
0x165: {  	_ =	swait.ge @!p0 [sflag:s0], s1  }
0x166: {  	s1 =	ssub.s32 @!p0 $0x0, s1;
	[sflag:s0] =	ssyncset.done @!p0 $0x0  }
0x167: {  	[sflag:s0] =	ssyncadd.s32 @!p0 s1  }
0x168: {  	[bflag:$0x3] =	sbarrier.arrive $0xFFFF  }
0x169: {  	_ =	shalt  }

</sc_bundles>
